<compile_context>
chip_gen: v7x
topology: tpu7x:2x2x1
jax: 0.10.2.dev20260603
libtpu: 0.0.44.dev20260713+nightly
codegen_flags: <defaults>
</compile_context>

<pallas_src>
import functools

import jax
import jax.numpy as jnp
import numpy as np
from jax import lax
from jax.experimental import pallas as pl
from jax.experimental.pallas import tpu as pltpu

_K = 3
_TINY = np.float32(np.finfo(np.float32).tiny)
_ROT_A = (13, 15, 26, 6)
_ROT_B = (17, 29, 16, 24)


def _threefry_rounds(x0, x1, rots):
    for r in rots:
        x0 = x0 + x1
        x1 = lax.shift_left(x1, np.int32(r)) | lax.shift_right_logical(
            x1, np.int32(32 - r)
        )
        x1 = x1 ^ x0
    return x0, x1


def _uniform_from_index(idx):
    ks1 = np.int32(42)
    ks2 = np.int32(0x1BD11BDA ^ 42)
    x1 = idx
    x0 = x1
    x1 = (
        lax.shift_left(x1, np.int32(13))
        | lax.shift_right_logical(x1, np.int32(19))
    ) ^ x0
    x0, x1 = _threefry_rounds(x0, x1, _ROT_A[1:])
    x0, x1 = x0 + ks1, x1 + np.int32(ks2 + 1)
    x0, x1 = _threefry_rounds(x0, x1, _ROT_B)
    x0, x1 = x0 + ks2, x1 + np.int32(2)
    x0, x1 = _threefry_rounds(x0, x1, _ROT_A)
    x0, x1 = x0, x1 + np.int32(ks1 + 3)
    x0, x1 = _threefry_rounds(x0, x1, _ROT_B)
    x0, x1 = x0 + ks1, x1 + np.int32(ks2 + 4)
    x0, x1 = _threefry_rounds(x0, x1, _ROT_A)
    x0, x1 = x0 + ks2, x1 + np.int32(5)
    bits = x0 ^ x1
    float_bits = lax.shift_right_logical(bits, np.int32(9)) | np.int32(0x3F800000)
    f = lax.bitcast_convert_type(float_bits, jnp.float32) - np.float32(1.0)
    return jnp.maximum(f, _TINY)


def _pool_kernel(x_ref, pat_ref, o_ref, *, oh, ow, rh):
    c = pl.program_id(0)
    rs = pl.program_id(1)
    row0 = rs * np.int32(rh)
    pattern = pat_ref[...]
    slab = x_ref[0, pl.ds(row0, rh + 8), :]

    def win(dy, dx):
        return slab[dy : dy + rh, dx : dx + ow]

    maxp = None
    for dy in range(_K):
        for dx in range(_K):
            v = win(dy, dx)
            maxp = v if maxp is None else jnp.maximum(maxp, v)
    zero_den = maxp <= np.float32(0.0)

    base = pattern + c * np.int32(oh * ow * 9)

    best_score = jnp.full((rh, ow), -jnp.inf, jnp.float32)
    best_val = jnp.zeros((rh, ow), jnp.float32)
    for j in range(9):
        dy, dx = divmod(j, _K)
        p = win(dy, dx)
        u = _uniform_from_index(base + np.int32(j))
        score = jnp.where(zero_den, u, jnp.maximum(p, 0.0) / -jnp.log(u))
        take = score > best_score
        best_score = jnp.where(take, score, best_score)
        best_val = jnp.where(take, p, best_val)
    o_ref[0] = best_val


@jax.jit
def kernel(x):
    B, C, H, W = x.shape
    oh = H - _K + 1
    ow = W - _K + 1
    N = B * C
    S = 4 if oh >= 128 else 1
    rh = -(-(-(-oh // S)) // 8) * 8
    hpad = -(-(S * rh + _K - 1) // 8) * 8
    yy = np.arange(oh, dtype=np.int64)[:, None]
    xxx = np.arange(ow, dtype=np.int64)[None, :]
    pattern = jnp.asarray(((yy * ow + xxx) * 9 + 42).astype(np.int32))
    out = pl.pallas_call(
        functools.partial(_pool_kernel, oh=oh, ow=ow, rh=rh),
        grid=(N, S),
        in_specs=[
            pl.BlockSpec((1, hpad, W), lambda c, rs: (c, 0, 0)),
            pl.BlockSpec((rh, ow), lambda c, rs: (rs, 0)),
        ],
        out_specs=pl.BlockSpec((1, rh, ow), lambda c, rs: (c, rs, 0)),
        out_shape=jax.ShapeDtypeStruct((N, oh, ow), jnp.float32),
        compiler_params=pltpu.CompilerParams(
            dimension_semantics=("parallel", "arbitrary")
        ),
    )(x.reshape(N, H, W), pattern)
    return out.reshape(B, C, oh, ow)

# --- scband reference (transcript-rebuilt; emitter-appended) ---
"""Pipeline reference for scband-stochastic-pool2-d-1580547969981 (READ-ONLY COPY).

The authoritative reference and input builder live on the scoring server;
editing this copy changes nothing except your own understanding.
"""

import jax, jax.numpy as jnp
import numpy as np

K = 3
S = 1


def _patches(x, k, s):
    # Equivalent of torch x.unfold(2,k,s).unfold(3,k,s).contiguous().view(B,C,oh,ow,k*k)
    B, C, H, W = x.shape
    oh = (H - k) // s + 1
    ow = (W - k) // s + 1
    rows = (jnp.arange(oh) * s)[:, None] + jnp.arange(k)[None, :]  # [oh, k]
    cols = (jnp.arange(ow) * s)[:, None] + jnp.arange(k)[None, :]  # [ow, k]
    x1 = x[:, :, rows, :]          # [B, C, oh, k, W]
    x2 = x1[:, :, :, :, cols]      # [B, C, oh, k, ow, k]
    p = jnp.transpose(x2, (0, 1, 2, 4, 3, 5)).reshape(B, C, oh, ow, k * k)
    return p


def setup_inputs(seed: int = 0) -> dict:
    key = jax.random.key(seed)
    x = jax.random.normal(key, (2, 96, 224, 224), dtype=jnp.float32)
    return {"x": x}


def reference(x):
    p = _patches(x, K, S)                       # [B, C, oh, ow, k*k]
    activ = jax.nn.relu(p)
    denom = activ.sum(axis=-1, keepdims=True)
    prob = activ / denom                         # NaN where denom == 0 (all-nonpositive window)
    prob = jnp.where(jnp.isnan(prob), jnp.float32(1.0), prob)  # prob[prob != prob] = 1
    logits = jnp.log(prob)                       # Categorical(probs=prob): log(0) -> -inf is fine
    idx = jax.random.categorical(jax.random.key(42), logits, axis=-1)  # sample per window
    out = jnp.take_along_axis(p, idx[..., None], axis=-1)  # gather(-1, idx.unsqueeze(-1))
    out = out.sum(axis=-1)                       # [B, C, oh, ow]
    return out

if __name__ == "__main__":
    import jax
    _d = setup_inputs()
    print(jax.jit(kernel)(*tuple(_d.values())))

</pallas_src>

<mosaic_0001>
module attributes {stable_mosaic.version = 14 : i64} {
  func.func @_pool_kernel(%arg0: i32, %arg1: i32, %arg2: memref<1x232x224xf32, #tpu.memory_space<vmem>>, %arg3: memref<56x222xi32, #tpu.memory_space<vmem>>, %arg4: memref<1x56x222xf32, #tpu.memory_space<vmem>>) attributes {dimension_semantics = [#tpu.dimension_semantics<parallel>, #tpu.dimension_semantics<arbitrary>], iteration_bounds = array<i64: 192, 4>, scalar_prefetch = 0 : i64, scratch_operands = 0 : i64, tpu.core_type = #tpu.core_type<tc>, window_params = [{transform_indices = @transform_0, window_bounds = array<i64: 1, 232, 224>}, {transform_indices = @transform_1, window_bounds = array<i64: 56, 222>}, {transform_indices = @transform_2, window_bounds = array<i64: 1, 56, 222>}]} {
    %mul3A = arith.constant 56 : i32
    %mul3A_0 = arith.muli %arg1, %mul3A : i32
    %get3A = arith.constant 0 : index
    %get3A_1 = arith.constant 0 : index
    %get3A_2 = vector.load %arg3[%get3A, %get3A_1] : memref<56x222xi32, #tpu.memory_space<vmem>>, vector<56x222xi32>
    %get3A_3 = arith.constant 0 : index
    %get3A_4 = arith.index_cast %mul3A_0 : i32 to index
    %get3A_5 = arith.constant 0 : index
    %get3A_6 = vector.load %arg2[%get3A_3, %get3A_4, %get3A_5] : memref<1x232x224xf32, #tpu.memory_space<vmem>>, vector<1x64x224xf32>
    %get3A_7 = vector.shape_cast %get3A_6 : vector<1x64x224xf32> to vector<64x224xf32>
    %slice3A = vector.extract_strided_slice %get3A_7 {offsets = [0, 0], sizes = [56, 222], strides = [1, 1]} : vector<64x224xf32> to vector<56x222xf32>
    %slice3A_8 = vector.extract_strided_slice %get3A_7 {offsets = [0, 1], sizes = [56, 222], strides = [1, 1]} : vector<64x224xf32> to vector<56x222xf32>
    %max3A = arith.maximumf %slice3A, %slice3A_8 : vector<56x222xf32>
    %slice3A_9 = vector.extract_strided_slice %get3A_7 {offsets = [0, 2], sizes = [56, 222], strides = [1, 1]} : vector<64x224xf32> to vector<56x222xf32>
    %max3A_10 = arith.maximumf %max3A, %slice3A_9 : vector<56x222xf32>
    %slice3A_11 = vector.extract_strided_slice %get3A_7 {offsets = [1, 0], sizes = [56, 222], strides = [1, 1]} : vector<64x224xf32> to vector<56x222xf32>
    %max3A_12 = arith.maximumf %max3A_10, %slice3A_11 : vector<56x222xf32>
    %slice3A_13 = vector.extract_strided_slice %get3A_7 {offsets = [1, 1], sizes = [56, 222], strides = [1, 1]} : vector<64x224xf32> to vector<56x222xf32>
    %max3A_14 = arith.maximumf %max3A_12, %slice3A_13 : vector<56x222xf32>
    %slice3A_15 = vector.extract_strided_slice %get3A_7 {offsets = [1, 2], sizes = [56, 222], strides = [1, 1]} : vector<64x224xf32> to vector<56x222xf32>
    %max3A_16 = arith.maximumf %max3A_14, %slice3A_15 : vector<56x222xf32>
    %slice3A_17 = vector.extract_strided_slice %get3A_7 {offsets = [2, 0], sizes = [56, 222], strides = [1, 1]} : vector<64x224xf32> to vector<56x222xf32>
    %max3A_18 = arith.maximumf %max3A_16, %slice3A_17 : vector<56x222xf32>
    %slice3A_19 = vector.extract_strided_slice %get3A_7 {offsets = [2, 1], sizes = [56, 222], strides = [1, 1]} : vector<64x224xf32> to vector<56x222xf32>
    %max3A_20 = arith.maximumf %max3A_18, %slice3A_19 : vector<56x222xf32>
    %slice3A_21 = vector.extract_strided_slice %get3A_7 {offsets = [2, 2], sizes = [56, 222], strides = [1, 1]} : vector<64x224xf32> to vector<56x222xf32>
    %max3A_22 = arith.maximumf %max3A_20, %slice3A_21 : vector<56x222xf32>
    %le3A = arith.constant 0.000000e+00 : f32
    %le3A_23 = vector.broadcast %le3A : f32 to vector<56x222xf32>
    %le3A_24 = arith.cmpf ole, %max3A_22, %le3A_23 : vector<56x222xf32>
    %mul3A_25 = arith.constant 443556 : i32
    %mul3A_26 = arith.muli %arg0, %mul3A_25 : i32
    %add3A = vector.broadcast %mul3A_26 : i32 to vector<56x222xi32>
    %add3A_27 = arith.addi %get3A_2, %add3A : vector<56x222xi32>
    %broadcast_in_dim3A = arith.constant 0xFF800000 : f32
    %broadcast_in_dim3A_28 = vector.broadcast %broadcast_in_dim3A : f32 to vector<56x222xf32>
    %broadcast_in_dim3A_29 = arith.constant 0.000000e+00 : f32
    %broadcast_in_dim3A_30 = vector.broadcast %broadcast_in_dim3A_29 : f32 to vector<56x222xf32>
    %slice3A_31 = vector.extract_strided_slice %get3A_7 {offsets = [0, 0], sizes = [56, 222], strides = [1, 1]} : vector<64x224xf32> to vector<56x222xf32>
    %add3A_32 = arith.constant 0 : i32
    %add3A_33 = vector.broadcast %add3A_32 : i32 to vector<56x222xi32>
    %add3A_34 = arith.addi %add3A_27, %add3A_33 : vector<56x222xi32>
    %shift_left3A = arith.constant 13 : i32
    %shift_left3A_35 = vector.broadcast %shift_left3A : i32 to vector<56x222xi32>
    %shift_left3A_36 = arith.shli %add3A_34, %shift_left3A_35 : vector<56x222xi32>
    %shift_right_logical3A = arith.constant 19 : i32
    %shift_right_logical3A_37 = vector.broadcast %shift_right_logical3A : i32 to vector<56x222xi32>
    %shift_right_logical3A_38 = arith.shrui %add3A_34, %shift_right_logical3A_37 : vector<56x222xi32>
    %or3A = arith.ori %shift_left3A_36, %shift_right_logical3A_38 : vector<56x222xi32>
    %xor3A = arith.xori %or3A, %add3A_34 : vector<56x222xi32>
    %add3A_39 = arith.addi %add3A_34, %xor3A : vector<56x222xi32>
    %shift_left3A_40 = arith.constant 15 : i32
    %shift_left3A_41 = vector.broadcast %shift_left3A_40 : i32 to vector<56x222xi32>
    %shift_left3A_42 = arith.shli %xor3A, %shift_left3A_41 : vector<56x222xi32>
    %shift_right_logical3A_43 = arith.constant 17 : i32
    %shift_right_logical3A_44 = vector.broadcast %shift_right_logical3A_43 : i32 to vector<56x222xi32>
    %shift_right_logical3A_45 = arith.shrui %xor3A, %shift_right_logical3A_44 : vector<56x222xi32>
    %or3A_46 = arith.ori %shift_left3A_42, %shift_right_logical3A_45 : vector<56x222xi32>
    %xor3A_47 = arith.xori %or3A_46, %add3A_39 : vector<56x222xi32>
    %add3A_48 = arith.addi %add3A_39, %xor3A_47 : vector<56x222xi32>
    %shift_left3A_49 = arith.constant 26 : i32
    %shift_left3A_50 = vector.broadcast %shift_left3A_49 : i32 to vector<56x222xi32>
    %shift_left3A_51 = arith.shli %xor3A_47, %shift_left3A_50 : vector<56x222xi32>
    %shift_right_logical3A_52 = arith.constant 6 : i32
    %shift_right_logical3A_53 = vector.broadcast %shift_right_logical3A_52 : i32 to vector<56x222xi32>
    %shift_right_logical3A_54 = arith.shrui %xor3A_47, %shift_right_logical3A_53 : vector<56x222xi32>
    %or3A_55 = arith.ori %shift_left3A_51, %shift_right_logical3A_54 : vector<56x222xi32>
    %xor3A_56 = arith.xori %or3A_55, %add3A_48 : vector<56x222xi32>
    %add3A_57 = arith.addi %add3A_48, %xor3A_56 : vector<56x222xi32>
    %shift_left3A_58 = arith.constant 6 : i32
    %shift_left3A_59 = vector.broadcast %shift_left3A_58 : i32 to vector<56x222xi32>
    %shift_left3A_60 = arith.shli %xor3A_56, %shift_left3A_59 : vector<56x222xi32>
    %shift_right_logical3A_61 = arith.constant 26 : i32
    %shift_right_logical3A_62 = vector.broadcast %shift_right_logical3A_61 : i32 to vector<56x222xi32>
    %shift_right_logical3A_63 = arith.shrui %xor3A_56, %shift_right_logical3A_62 : vector<56x222xi32>
    %or3A_64 = arith.ori %shift_left3A_60, %shift_right_logical3A_63 : vector<56x222xi32>
    %xor3A_65 = arith.xori %or3A_64, %add3A_57 : vector<56x222xi32>
    %add3A_66 = arith.constant 42 : i32
    %add3A_67 = vector.broadcast %add3A_66 : i32 to vector<56x222xi32>
    %add3A_68 = arith.addi %add3A_57, %add3A_67 : vector<56x222xi32>
    %add3A_69 = arith.constant 466689009 : i32
    %add3A_70 = vector.broadcast %add3A_69 : i32 to vector<56x222xi32>
    %add3A_71 = arith.addi %xor3A_65, %add3A_70 : vector<56x222xi32>
    %add3A_72 = arith.addi %add3A_68, %add3A_71 : vector<56x222xi32>
    %shift_left3A_73 = arith.constant 17 : i32
    %shift_left3A_74 = vector.broadcast %shift_left3A_73 : i32 to vector<56x222xi32>
    %shift_left3A_75 = arith.shli %add3A_71, %shift_left3A_74 : vector<56x222xi32>
    %shift_right_logical3A_76 = arith.constant 15 : i32
    %shift_right_logical3A_77 = vector.broadcast %shift_right_logical3A_76 : i32 to vector<56x222xi32>
    %shift_right_logical3A_78 = arith.shrui %add3A_71, %shift_right_logical3A_77 : vector<56x222xi32>
    %or3A_79 = arith.ori %shift_left3A_75, %shift_right_logical3A_78 : vector<56x222xi32>
    %xor3A_80 = arith.xori %or3A_79, %add3A_72 : vector<56x222xi32>
    %add3A_81 = arith.addi %add3A_72, %xor3A_80 : vector<56x222xi32>
    %shift_left3A_82 = arith.constant 29 : i32
    %shift_left3A_83 = vector.broadcast %shift_left3A_82 : i32 to vector<56x222xi32>
    %shift_left3A_84 = arith.shli %xor3A_80, %shift_left3A_83 : vector<56x222xi32>
    %shift_right_logical3A_85 = arith.constant 3 : i32
    %shift_right_logical3A_86 = vector.broadcast %shift_right_logical3A_85 : i32 to vector<56x222xi32>
    %shift_right_logical3A_87 = arith.shrui %xor3A_80, %shift_right_logical3A_86 : vector<56x222xi32>
    %or3A_88 = arith.ori %shift_left3A_84, %shift_right_logical3A_87 : vector<56x222xi32>
    %xor3A_89 = arith.xori %or3A_88, %add3A_81 : vector<56x222xi32>
    %add3A_90 = arith.addi %add3A_81, %xor3A_89 : vector<56x222xi32>
    %shift_left3A_91 = arith.constant 16 : i32
    %shift_left3A_92 = vector.broadcast %shift_left3A_91 : i32 to vector<56x222xi32>
    %shift_left3A_93 = arith.shli %xor3A_89, %shift_left3A_92 : vector<56x222xi32>
    %shift_right_logical3A_94 = arith.constant 16 : i32
    %shift_right_logical3A_95 = vector.broadcast %shift_right_logical3A_94 : i32 to vector<56x222xi32>
    %shift_right_logical3A_96 = arith.shrui %xor3A_89, %shift_right_logical3A_95 : vector<56x222xi32>
    %or3A_97 = arith.ori %shift_left3A_93, %shift_right_logical3A_96 : vector<56x222xi32>
    %xor3A_98 = arith.xori %or3A_97, %add3A_90 : vector<56x222xi32>
    %add3A_99 = arith.addi %add3A_90, %xor3A_98 : vector<56x222xi32>
    %shift_left3A_100 = arith.constant 24 : i32
    %shift_left3A_101 = vector.broadcast %shift_left3A_100 : i32 to vector<56x222xi32>
    %shift_left3A_102 = arith.shli %xor3A_98, %shift_left3A_101 : vector<56x222xi32>
    %shift_right_logical3A_103 = arith.constant 8 : i32
    %shift_right_logical3A_104 = vector.broadcast %shift_right_logical3A_103 : i32 to vector<56x222xi32>
    %shift_right_logical3A_105 = arith.shrui %xor3A_98, %shift_right_logical3A_104 : vector<56x222xi32>
    %or3A_106 = arith.ori %shift_left3A_102, %shift_right_logical3A_105 : vector<56x222xi32>
    %xor3A_107 = arith.xori %or3A_106, %add3A_99 : vector<56x222xi32>
    %add3A_108 = arith.constant 466689008 : i32
    %add3A_109 = vector.broadcast %add3A_108 : i32 to vector<56x222xi32>
    %add3A_110 = arith.addi %add3A_99, %add3A_109 : vector<56x222xi32>
    %add3A_111 = arith.constant 2 : i32
    %add3A_112 = vector.broadcast %add3A_111 : i32 to vector<56x222xi32>
    %add3A_113 = arith.addi %xor3A_107, %add3A_112 : vector<56x222xi32>
    %add3A_114 = arith.addi %add3A_110, %add3A_113 : vector<56x222xi32>
    %shift_left3A_115 = arith.constant 13 : i32
    %shift_left3A_116 = vector.broadcast %shift_left3A_115 : i32 to vector<56x222xi32>
    %shift_left3A_117 = arith.shli %add3A_113, %shift_left3A_116 : vector<56x222xi32>
    %shift_right_logical3A_118 = arith.constant 19 : i32
    %shift_right_logical3A_119 = vector.broadcast %shift_right_logical3A_118 : i32 to vector<56x222xi32>
    %shift_right_logical3A_120 = arith.shrui %add3A_113, %shift_right_logical3A_119 : vector<56x222xi32>
    %or3A_121 = arith.ori %shift_left3A_117, %shift_right_logical3A_120 : vector<56x222xi32>
    %xor3A_122 = arith.xori %or3A_121, %add3A_114 : vector<56x222xi32>
    %add3A_123 = arith.addi %add3A_114, %xor3A_122 : vector<56x222xi32>
    %shift_left3A_124 = arith.constant 15 : i32
    %shift_left3A_125 = vector.broadcast %shift_left3A_124 : i32 to vector<56x222xi32>
    %shift_left3A_126 = arith.shli %xor3A_122, %shift_left3A_125 : vector<56x222xi32>
    %shift_right_logical3A_127 = arith.constant 17 : i32
    %shift_right_logical3A_128 = vector.broadcast %shift_right_logical3A_127 : i32 to vector<56x222xi32>
    %shift_right_logical3A_129 = arith.shrui %xor3A_122, %shift_right_logical3A_128 : vector<56x222xi32>
    %or3A_130 = arith.ori %shift_left3A_126, %shift_right_logical3A_129 : vector<56x222xi32>
    %xor3A_131 = arith.xori %or3A_130, %add3A_123 : vector<56x222xi32>
    %add3A_132 = arith.addi %add3A_123, %xor3A_131 : vector<56x222xi32>
    %shift_left3A_133 = arith.constant 26 : i32
    %shift_left3A_134 = vector.broadcast %shift_left3A_133 : i32 to vector<56x222xi32>
    %shift_left3A_135 = arith.shli %xor3A_131, %shift_left3A_134 : vector<56x222xi32>
    %shift_right_logical3A_136 = arith.constant 6 : i32
    %shift_right_logical3A_137 = vector.broadcast %shift_right_logical3A_136 : i32 to vector<56x222xi32>
    %shift_right_logical3A_138 = arith.shrui %xor3A_131, %shift_right_logical3A_137 : vector<56x222xi32>
    %or3A_139 = arith.ori %shift_left3A_135, %shift_right_logical3A_138 : vector<56x222xi32>
    %xor3A_140 = arith.xori %or3A_139, %add3A_132 : vector<56x222xi32>
    %add3A_141 = arith.addi %add3A_132, %xor3A_140 : vector<56x222xi32>
    %shift_left3A_142 = arith.constant 6 : i32
    %shift_left3A_143 = vector.broadcast %shift_left3A_142 : i32 to vector<56x222xi32>
    %shift_left3A_144 = arith.shli %xor3A_140, %shift_left3A_143 : vector<56x222xi32>
    %shift_right_logical3A_145 = arith.constant 26 : i32
    %shift_right_logical3A_146 = vector.broadcast %shift_right_logical3A_145 : i32 to vector<56x222xi32>
    %shift_right_logical3A_147 = arith.shrui %xor3A_140, %shift_right_logical3A_146 : vector<56x222xi32>
    %or3A_148 = arith.ori %shift_left3A_144, %shift_right_logical3A_147 : vector<56x222xi32>
    %xor3A_149 = arith.xori %or3A_148, %add3A_141 : vector<56x222xi32>
    %add3A_150 = arith.constant 45 : i32
    %add3A_151 = vector.broadcast %add3A_150 : i32 to vector<56x222xi32>
    %add3A_152 = arith.addi %xor3A_149, %add3A_151 : vector<56x222xi32>
    %add3A_153 = arith.addi %add3A_141, %add3A_152 : vector<56x222xi32>
    %shift_left3A_154 = arith.constant 17 : i32
    %shift_left3A_155 = vector.broadcast %shift_left3A_154 : i32 to vector<56x222xi32>
    %shift_left3A_156 = arith.shli %add3A_152, %shift_left3A_155 : vector<56x222xi32>
    %shift_right_logical3A_157 = arith.constant 15 : i32
    %shift_right_logical3A_158 = vector.broadcast %shift_right_logical3A_157 : i32 to vector<56x222xi32>
    %shift_right_logical3A_159 = arith.shrui %add3A_152, %shift_right_logical3A_158 : vector<56x222xi32>
    %or3A_160 = arith.ori %shift_left3A_156, %shift_right_logical3A_159 : vector<56x222xi32>
    %xor3A_161 = arith.xori %or3A_160, %add3A_153 : vector<56x222xi32>
    %add3A_162 = arith.addi %add3A_153, %xor3A_161 : vector<56x222xi32>
    %shift_left3A_163 = arith.constant 29 : i32
    %shift_left3A_164 = vector.broadcast %shift_left3A_163 : i32 to vector<56x222xi32>
    %shift_left3A_165 = arith.shli %xor3A_161, %shift_left3A_164 : vector<56x222xi32>
    %shift_right_logical3A_166 = arith.constant 3 : i32
    %shift_right_logical3A_167 = vector.broadcast %shift_right_logical3A_166 : i32 to vector<56x222xi32>
    %shift_right_logical3A_168 = arith.shrui %xor3A_161, %shift_right_logical3A_167 : vector<56x222xi32>
    %or3A_169 = arith.ori %shift_left3A_165, %shift_right_logical3A_168 : vector<56x222xi32>
    %xor3A_170 = arith.xori %or3A_169, %add3A_162 : vector<56x222xi32>
    %add3A_171 = arith.addi %add3A_162, %xor3A_170 : vector<56x222xi32>
    %shift_left3A_172 = arith.constant 16 : i32
    %shift_left3A_173 = vector.broadcast %shift_left3A_172 : i32 to vector<56x222xi32>
    %shift_left3A_174 = arith.shli %xor3A_170, %shift_left3A_173 : vector<56x222xi32>
    %shift_right_logical3A_175 = arith.constant 16 : i32
    %shift_right_logical3A_176 = vector.broadcast %shift_right_logical3A_175 : i32 to vector<56x222xi32>
    %shift_right_logical3A_177 = arith.shrui %xor3A_170, %shift_right_logical3A_176 : vector<56x222xi32>
    %or3A_178 = arith.ori %shift_left3A_174, %shift_right_logical3A_177 : vector<56x222xi32>
    %xor3A_179 = arith.xori %or3A_178, %add3A_171 : vector<56x222xi32>
    %add3A_180 = arith.addi %add3A_171, %xor3A_179 : vector<56x222xi32>
    %shift_left3A_181 = arith.constant 24 : i32
    %shift_left3A_182 = vector.broadcast %shift_left3A_181 : i32 to vector<56x222xi32>
    %shift_left3A_183 = arith.shli %xor3A_179, %shift_left3A_182 : vector<56x222xi32>
    %shift_right_logical3A_184 = arith.constant 8 : i32
    %shift_right_logical3A_185 = vector.broadcast %shift_right_logical3A_184 : i32 to vector<56x222xi32>
    %shift_right_logical3A_186 = arith.shrui %xor3A_179, %shift_right_logical3A_185 : vector<56x222xi32>
    %or3A_187 = arith.ori %shift_left3A_183, %shift_right_logical3A_186 : vector<56x222xi32>
    %xor3A_188 = arith.xori %or3A_187, %add3A_180 : vector<56x222xi32>
    %add3A_189 = arith.constant 42 : i32
    %add3A_190 = vector.broadcast %add3A_189 : i32 to vector<56x222xi32>
    %add3A_191 = arith.addi %add3A_180, %add3A_190 : vector<56x222xi32>
    %add3A_192 = arith.constant 466689012 : i32
    %add3A_193 = vector.broadcast %add3A_192 : i32 to vector<56x222xi32>
    %add3A_194 = arith.addi %xor3A_188, %add3A_193 : vector<56x222xi32>
    %add3A_195 = arith.addi %add3A_191, %add3A_194 : vector<56x222xi32>
    %shift_left3A_196 = arith.constant 13 : i32
    %shift_left3A_197 = vector.broadcast %shift_left3A_196 : i32 to vector<56x222xi32>
    %shift_left3A_198 = arith.shli %add3A_194, %shift_left3A_197 : vector<56x222xi32>
    %shift_right_logical3A_199 = arith.constant 19 : i32
    %shift_right_logical3A_200 = vector.broadcast %shift_right_logical3A_199 : i32 to vector<56x222xi32>
    %shift_right_logical3A_201 = arith.shrui %add3A_194, %shift_right_logical3A_200 : vector<56x222xi32>
    %or3A_202 = arith.ori %shift_left3A_198, %shift_right_logical3A_201 : vector<56x222xi32>
    %xor3A_203 = arith.xori %or3A_202, %add3A_195 : vector<56x222xi32>
    %add3A_204 = arith.addi %add3A_195, %xor3A_203 : vector<56x222xi32>
    %shift_left3A_205 = arith.constant 15 : i32
    %shift_left3A_206 = vector.broadcast %shift_left3A_205 : i32 to vector<56x222xi32>
    %shift_left3A_207 = arith.shli %xor3A_203, %shift_left3A_206 : vector<56x222xi32>
    %shift_right_logical3A_208 = arith.constant 17 : i32
    %shift_right_logical3A_209 = vector.broadcast %shift_right_logical3A_208 : i32 to vector<56x222xi32>
    %shift_right_logical3A_210 = arith.shrui %xor3A_203, %shift_right_logical3A_209 : vector<56x222xi32>
    %or3A_211 = arith.ori %shift_left3A_207, %shift_right_logical3A_210 : vector<56x222xi32>
    %xor3A_212 = arith.xori %or3A_211, %add3A_204 : vector<56x222xi32>
    %add3A_213 = arith.addi %add3A_204, %xor3A_212 : vector<56x222xi32>
    %shift_left3A_214 = arith.constant 26 : i32
    %shift_left3A_215 = vector.broadcast %shift_left3A_214 : i32 to vector<56x222xi32>
    %shift_left3A_216 = arith.shli %xor3A_212, %shift_left3A_215 : vector<56x222xi32>
    %shift_right_logical3A_217 = arith.constant 6 : i32
    %shift_right_logical3A_218 = vector.broadcast %shift_right_logical3A_217 : i32 to vector<56x222xi32>
    %shift_right_logical3A_219 = arith.shrui %xor3A_212, %shift_right_logical3A_218 : vector<56x222xi32>
    %or3A_220 = arith.ori %shift_left3A_216, %shift_right_logical3A_219 : vector<56x222xi32>
    %xor3A_221 = arith.xori %or3A_220, %add3A_213 : vector<56x222xi32>
    %add3A_222 = arith.addi %add3A_213, %xor3A_221 : vector<56x222xi32>
    %shift_left3A_223 = arith.constant 6 : i32
    %shift_left3A_224 = vector.broadcast %shift_left3A_223 : i32 to vector<56x222xi32>
    %shift_left3A_225 = arith.shli %xor3A_221, %shift_left3A_224 : vector<56x222xi32>
    %shift_right_logical3A_226 = arith.constant 26 : i32
    %shift_right_logical3A_227 = vector.broadcast %shift_right_logical3A_226 : i32 to vector<56x222xi32>
    %shift_right_logical3A_228 = arith.shrui %xor3A_221, %shift_right_logical3A_227 : vector<56x222xi32>
    %or3A_229 = arith.ori %shift_left3A_225, %shift_right_logical3A_228 : vector<56x222xi32>
    %xor3A_230 = arith.xori %or3A_229, %add3A_222 : vector<56x222xi32>
    %add3A_231 = arith.constant 466689008 : i32
    %add3A_232 = vector.broadcast %add3A_231 : i32 to vector<56x222xi32>
    %add3A_233 = arith.addi %add3A_222, %add3A_232 : vector<56x222xi32>
    %add3A_234 = arith.constant 5 : i32
    %add3A_235 = vector.broadcast %add3A_234 : i32 to vector<56x222xi32>
    %add3A_236 = arith.addi %xor3A_230, %add3A_235 : vector<56x222xi32>
    %xor3A_237 = arith.xori %add3A_233, %add3A_236 : vector<56x222xi32>
    %shift_right_logical3A_238 = arith.constant 9 : i32
    %shift_right_logical3A_239 = vector.broadcast %shift_right_logical3A_238 : i32 to vector<56x222xi32>
    %shift_right_logical3A_240 = arith.shrui %xor3A_237, %shift_right_logical3A_239 : vector<56x222xi32>
    %or3A_241 = arith.constant 1065353216 : i32
    %or3A_242 = vector.broadcast %or3A_241 : i32 to vector<56x222xi32>
    %or3A_243 = arith.ori %shift_right_logical3A_240, %or3A_242 : vector<56x222xi32>
    %bitcast_convert_type3A = tpu.bitcast %or3A_243 : vector<56x222xi32> -> vector<56x222xf32>
    %sub3A = arith.constant 1.000000e+00 : f32
    %sub3A_244 = vector.broadcast %sub3A : f32 to vector<56x222xf32>
    %sub3A_245 = arith.subf %bitcast_convert_type3A, %sub3A_244 : vector<56x222xf32>
    %max3A_246 = arith.constant 1.17549435E-38 : f32
    %max3A_247 = vector.broadcast %max3A_246 : f32 to vector<56x222xf32>
    %max3A_248 = arith.maximumf %sub3A_245, %max3A_247 : vector<56x222xf32>
    %max3A_249 = arith.constant 0.000000e+00 : f32
    %max3A_250 = vector.broadcast %max3A_249 : f32 to vector<56x222xf32>
    %max3A_251 = arith.maximumf %slice3A_31, %max3A_250 : vector<56x222xf32>
    %log3A = math.log %max3A_248 : vector<56x222xf32>
    %neg3A = arith.constant 0.000000e+00 : f32
    %neg3A_252 = vector.broadcast %neg3A : f32 to vector<56x222xf32>
    %neg3A_253 = arith.subf %neg3A_252, %log3A : vector<56x222xf32>
    %div3A = arith.divf %max3A_251, %neg3A_253 : vector<56x222xf32>
    %select_n3A = arith.select %le3A_24, %max3A_248, %div3A : vector<56x222xi1>, vector<56x222xf32>
    %gt3A = arith.cmpf ogt, %select_n3A, %broadcast_in_dim3A_28 : vector<56x222xf32>
    %select_n3A_254 = arith.select %gt3A, %select_n3A, %broadcast_in_dim3A_28 : vector<56x222xi1>, vector<56x222xf32>
    %select_n3A_255 = arith.select %gt3A, %slice3A_31, %broadcast_in_dim3A_30 : vector<56x222xi1>, vector<56x222xf32>
    %slice3A_256 = vector.extract_strided_slice %get3A_7 {offsets = [0, 1], sizes = [56, 222], strides = [1, 1]} : vector<64x224xf32> to vector<56x222xf32>
    %add3A_257 = arith.constant 1 : i32
    %add3A_258 = vector.broadcast %add3A_257 : i32 to vector<56x222xi32>
    %add3A_259 = arith.addi %add3A_27, %add3A_258 : vector<56x222xi32>
    %shift_left3A_260 = arith.constant 13 : i32
    %shift_left3A_261 = vector.broadcast %shift_left3A_260 : i32 to vector<56x222xi32>
    %shift_left3A_262 = arith.shli %add3A_259, %shift_left3A_261 : vector<56x222xi32>
    %shift_right_logical3A_263 = arith.constant 19 : i32
    %shift_right_logical3A_264 = vector.broadcast %shift_right_logical3A_263 : i32 to vector<56x222xi32>
    %shift_right_logical3A_265 = arith.shrui %add3A_259, %shift_right_logical3A_264 : vector<56x222xi32>
    %or3A_266 = arith.ori %shift_left3A_262, %shift_right_logical3A_265 : vector<56x222xi32>
    %xor3A_267 = arith.xori %or3A_266, %add3A_259 : vector<56x222xi32>
    %add3A_268 = arith.addi %add3A_259, %xor3A_267 : vector<56x222xi32>
    %shift_left3A_269 = arith.constant 15 : i32
    %shift_left3A_270 = vector.broadcast %shift_left3A_269 : i32 to vector<56x222xi32>
    %shift_left3A_271 = arith.shli %xor3A_267, %shift_left3A_270 : vector<56x222xi32>
    %shift_right_logical3A_272 = arith.constant 17 : i32
    %shift_right_logical3A_273 = vector.broadcast %shift_right_logical3A_272 : i32 to vector<56x222xi32>
    %shift_right_logical3A_274 = arith.shrui %xor3A_267, %shift_right_logical3A_273 : vector<56x222xi32>
    %or3A_275 = arith.ori %shift_left3A_271, %shift_right_logical3A_274 : vector<56x222xi32>
    %xor3A_276 = arith.xori %or3A_275, %add3A_268 : vector<56x222xi32>
    %add3A_277 = arith.addi %add3A_268, %xor3A_276 : vector<56x222xi32>
    %shift_left3A_278 = arith.constant 26 : i32
    %shift_left3A_279 = vector.broadcast %shift_left3A_278 : i32 to vector<56x222xi32>
    %shift_left3A_280 = arith.shli %xor3A_276, %shift_left3A_279 : vector<56x222xi32>
    %shift_right_logical3A_281 = arith.constant 6 : i32
    %shift_right_logical3A_282 = vector.broadcast %shift_right_logical3A_281 : i32 to vector<56x222xi32>
    %shift_right_logical3A_283 = arith.shrui %xor3A_276, %shift_right_logical3A_282 : vector<56x222xi32>
    %or3A_284 = arith.ori %shift_left3A_280, %shift_right_logical3A_283 : vector<56x222xi32>
    %xor3A_285 = arith.xori %or3A_284, %add3A_277 : vector<56x222xi32>
    %add3A_286 = arith.addi %add3A_277, %xor3A_285 : vector<56x222xi32>
    %shift_left3A_287 = arith.constant 6 : i32
    %shift_left3A_288 = vector.broadcast %shift_left3A_287 : i32 to vector<56x222xi32>
    %shift_left3A_289 = arith.shli %xor3A_285, %shift_left3A_288 : vector<56x222xi32>
    %shift_right_logical3A_290 = arith.constant 26 : i32
    %shift_right_logical3A_291 = vector.broadcast %shift_right_logical3A_290 : i32 to vector<56x222xi32>
    %shift_right_logical3A_292 = arith.shrui %xor3A_285, %shift_right_logical3A_291 : vector<56x222xi32>
    %or3A_293 = arith.ori %shift_left3A_289, %shift_right_logical3A_292 : vector<56x222xi32>
    %xor3A_294 = arith.xori %or3A_293, %add3A_286 : vector<56x222xi32>
    %add3A_295 = arith.constant 42 : i32
    %add3A_296 = vector.broadcast %add3A_295 : i32 to vector<56x222xi32>
    %add3A_297 = arith.addi %add3A_286, %add3A_296 : vector<56x222xi32>
    %add3A_298 = arith.constant 466689009 : i32
    %add3A_299 = vector.broadcast %add3A_298 : i32 to vector<56x222xi32>
    %add3A_300 = arith.addi %xor3A_294, %add3A_299 : vector<56x222xi32>
    %add3A_301 = arith.addi %add3A_297, %add3A_300 : vector<56x222xi32>
    %shift_left3A_302 = arith.constant 17 : i32
    %shift_left3A_303 = vector.broadcast %shift_left3A_302 : i32 to vector<56x222xi32>
    %shift_left3A_304 = arith.shli %add3A_300, %shift_left3A_303 : vector<56x222xi32>
    %shift_right_logical3A_305 = arith.constant 15 : i32
    %shift_right_logical3A_306 = vector.broadcast %shift_right_logical3A_305 : i32 to vector<56x222xi32>
    %shift_right_logical3A_307 = arith.shrui %add3A_300, %shift_right_logical3A_306 : vector<56x222xi32>
    %or3A_308 = arith.ori %shift_left3A_304, %shift_right_logical3A_307 : vector<56x222xi32>
    %xor3A_309 = arith.xori %or3A_308, %add3A_301 : vector<56x222xi32>
    %add3A_310 = arith.addi %add3A_301, %xor3A_309 : vector<56x222xi32>
    %shift_left3A_311 = arith.constant 29 : i32
    %shift_left3A_312 = vector.broadcast %shift_left3A_311 : i32 to vector<56x222xi32>
    %shift_left3A_313 = arith.shli %xor3A_309, %shift_left3A_312 : vector<56x222xi32>
    %shift_right_logical3A_314 = arith.constant 3 : i32
    %shift_right_logical3A_315 = vector.broadcast %shift_right_logical3A_314 : i32 to vector<56x222xi32>
    %shift_right_logical3A_316 = arith.shrui %xor3A_309, %shift_right_logical3A_315 : vector<56x222xi32>
    %or3A_317 = arith.ori %shift_left3A_313, %shift_right_logical3A_316 : vector<56x222xi32>
    %xor3A_318 = arith.xori %or3A_317, %add3A_310 : vector<56x222xi32>
    %add3A_319 = arith.addi %add3A_310, %xor3A_318 : vector<56x222xi32>
    %shift_left3A_320 = arith.constant 16 : i32
    %shift_left3A_321 = vector.broadcast %shift_left3A_320 : i32 to vector<56x222xi32>
    %shift_left3A_322 = arith.shli %xor3A_318, %shift_left3A_321 : vector<56x222xi32>
    %shift_right_logical3A_323 = arith.constant 16 : i32
    %shift_right_logical3A_324 = vector.broadcast %shift_right_logical3A_323 : i32 to vector<56x222xi32>
    %shift_right_logical3A_325 = arith.shrui %xor3A_318, %shift_right_logical3A_324 : vector<56x222xi32>
    %or3A_326 = arith.ori %shift_left3A_322, %shift_right_logical3A_325 : vector<56x222xi32>
    %xor3A_327 = arith.xori %or3A_326, %add3A_319 : vector<56x222xi32>
    %add3A_328 = arith.addi %add3A_319, %xor3A_327 : vector<56x222xi32>
    %shift_left3A_329 = arith.constant 24 : i32
    %shift_left3A_330 = vector.broadcast %shift_left3A_329 : i32 to vector<56x222xi32>
    %shift_left3A_331 = arith.shli %xor3A_327, %shift_left3A_330 : vector<56x222xi32>
    %shift_right_logical3A_332 = arith.constant 8 : i32
    %shift_right_logical3A_333 = vector.broadcast %shift_right_logical3A_332 : i32 to vector<56x222xi32>
    %shift_right_logical3A_334 = arith.shrui %xor3A_327, %shift_right_logical3A_333 : vector<56x222xi32>
    %or3A_335 = arith.ori %shift_left3A_331, %shift_right_logical3A_334 : vector<56x222xi32>
    %xor3A_336 = arith.xori %or3A_335, %add3A_328 : vector<56x222xi32>
    %add3A_337 = arith.constant 466689008 : i32
    %add3A_338 = vector.broadcast %add3A_337 : i32 to vector<56x222xi32>
    %add3A_339 = arith.addi %add3A_328, %add3A_338 : vector<56x222xi32>
    %add3A_340 = arith.constant 2 : i32
    %add3A_341 = vector.broadcast %add3A_340 : i32 to vector<56x222xi32>
    %add3A_342 = arith.addi %xor3A_336, %add3A_341 : vector<56x222xi32>
    %add3A_343 = arith.addi %add3A_339, %add3A_342 : vector<56x222xi32>
    %shift_left3A_344 = arith.constant 13 : i32
    %shift_left3A_345 = vector.broadcast %shift_left3A_344 : i32 to vector<56x222xi32>
    %shift_left3A_346 = arith.shli %add3A_342, %shift_left3A_345 : vector<56x222xi32>
    %shift_right_logical3A_347 = arith.constant 19 : i32
    %shift_right_logical3A_348 = vector.broadcast %shift_right_logical3A_347 : i32 to vector<56x222xi32>
    %shift_right_logical3A_349 = arith.shrui %add3A_342, %shift_right_logical3A_348 : vector<56x222xi32>
    %or3A_350 = arith.ori %shift_left3A_346, %shift_right_logical3A_349 : vector<56x222xi32>
    %xor3A_351 = arith.xori %or3A_350, %add3A_343 : vector<56x222xi32>
    %add3A_352 = arith.addi %add3A_343, %xor3A_351 : vector<56x222xi32>
    %shift_left3A_353 = arith.constant 15 : i32
    %shift_left3A_354 = vector.broadcast %shift_left3A_353 : i32 to vector<56x222xi32>
    %shift_left3A_355 = arith.shli %xor3A_351, %shift_left3A_354 : vector<56x222xi32>
    %shift_right_logical3A_356 = arith.constant 17 : i32
    %shift_right_logical3A_357 = vector.broadcast %shift_right_logical3A_356 : i32 to vector<56x222xi32>
    %shift_right_logical3A_358 = arith.shrui %xor3A_351, %shift_right_logical3A_357 : vector<56x222xi32>
    %or3A_359 = arith.ori %shift_left3A_355, %shift_right_logical3A_358 : vector<56x222xi32>
    %xor3A_360 = arith.xori %or3A_359, %add3A_352 : vector<56x222xi32>
    %add3A_361 = arith.addi %add3A_352, %xor3A_360 : vector<56x222xi32>
    %shift_left3A_362 = arith.constant 26 : i32
    %shift_left3A_363 = vector.broadcast %shift_left3A_362 : i32 to vector<56x222xi32>
    %shift_left3A_364 = arith.shli %xor3A_360, %shift_left3A_363 : vector<56x222xi32>
    %shift_right_logical3A_365 = arith.constant 6 : i32
    %shift_right_logical3A_366 = vector.broadcast %shift_right_logical3A_365 : i32 to vector<56x222xi32>
    %shift_right_logical3A_367 = arith.shrui %xor3A_360, %shift_right_logical3A_366 : vector<56x222xi32>
    %or3A_368 = arith.ori %shift_left3A_364, %shift_right_logical3A_367 : vector<56x222xi32>
    %xor3A_369 = arith.xori %or3A_368, %add3A_361 : vector<56x222xi32>
    %add3A_370 = arith.addi %add3A_361, %xor3A_369 : vector<56x222xi32>
    %shift_left3A_371 = arith.constant 6 : i32
    %shift_left3A_372 = vector.broadcast %shift_left3A_371 : i32 to vector<56x222xi32>
    %shift_left3A_373 = arith.shli %xor3A_369, %shift_left3A_372 : vector<56x222xi32>
    %shift_right_logical3A_374 = arith.constant 26 : i32
    %shift_right_logical3A_375 = vector.broadcast %shift_right_logical3A_374 : i32 to vector<56x222xi32>
    %shift_right_logical3A_376 = arith.shrui %xor3A_369, %shift_right_logical3A_375 : vector<56x222xi32>
    %or3A_377 = arith.ori %shift_left3A_373, %shift_right_logical3A_376 : vector<56x222xi32>
    %xor3A_378 = arith.xori %or3A_377, %add3A_370 : vector<56x222xi32>
    %add3A_379 = arith.constant 45 : i32
    %add3A_380 = vector.broadcast %add3A_379 : i32 to vector<56x222xi32>
    %add3A_381 = arith.addi %xor3A_378, %add3A_380 : vector<56x222xi32>
    %add3A_382 = arith.addi %add3A_370, %add3A_381 : vector<56x222xi32>
    %shift_left3A_383 = arith.constant 17 : i32
    %shift_left3A_384 = vector.broadcast %shift_left3A_383 : i32 to vector<56x222xi32>
    %shift_left3A_385 = arith.shli %add3A_381, %shift_left3A_384 : vector<56x222xi32>
    %shift_right_logical3A_386 = arith.constant 15 : i32
    %shift_right_logical3A_387 = vector.broadcast %shift_right_logical3A_386 : i32 to vector<56x222xi32>
    %shift_right_logical3A_388 = arith.shrui %add3A_381, %shift_right_logical3A_387 : vector<56x222xi32>
    %or3A_389 = arith.ori %shift_left3A_385, %shift_right_logical3A_388 : vector<56x222xi32>
    %xor3A_390 = arith.xori %or3A_389, %add3A_382 : vector<56x222xi32>
    %add3A_391 = arith.addi %add3A_382, %xor3A_390 : vector<56x222xi32>
    %shift_left3A_392 = arith.constant 29 : i32
    %shift_left3A_393 = vector.broadcast %shift_left3A_392 : i32 to vector<56x222xi32>
    %shift_left3A_394 = arith.shli %xor3A_390, %shift_left3A_393 : vector<56x222xi32>
    %shift_right_logical3A_395 = arith.constant 3 : i32
    %shift_right_logical3A_396 = vector.broadcast %shift_right_logical3A_395 : i32 to vector<56x222xi32>
    %shift_right_logical3A_397 = arith.shrui %xor3A_390, %shift_right_logical3A_396 : vector<56x222xi32>
    %or3A_398 = arith.ori %shift_left3A_394, %shift_right_logical3A_397 : vector<56x222xi32>
    %xor3A_399 = arith.xori %or3A_398, %add3A_391 : vector<56x222xi32>
    %add3A_400 = arith.addi %add3A_391, %xor3A_399 : vector<56x222xi32>
    %shift_left3A_401 = arith.constant 16 : i32
    %shift_left3A_402 = vector.broadcast %shift_left3A_401 : i32 to vector<56x222xi32>
    %shift_left3A_403 = arith.shli %xor3A_399, %shift_left3A_402 : vector<56x222xi32>
    %shift_right_logical3A_404 = arith.constant 16 : i32
    %shift_right_logical3A_405 = vector.broadcast %shift_right_logical3A_404 : i32 to vector<56x222xi32>
    %shift_right_logical3A_406 = arith.shrui %xor3A_399, %shift_right_logical3A_405 : vector<56x222xi32>
    %or3A_407 = arith.ori %shift_left3A_403, %shift_right_logical3A_406 : vector<56x222xi32>
    %xor3A_408 = arith.xori %or3A_407, %add3A_400 : vector<56x222xi32>
    %add3A_409 = arith.addi %add3A_400, %xor3A_408 : vector<56x222xi32>
    %shift_left3A_410 = arith.constant 24 : i32
    %shift_left3A_411 = vector.broadcast %shift_left3A_410 : i32 to vector<56x222xi32>
    %shift_left3A_412 = arith.shli %xor3A_408, %shift_left3A_411 : vector<56x222xi32>
    %shift_right_logical3A_413 = arith.constant 8 : i32
    %shift_right_logical3A_414 = vector.broadcast %shift_right_logical3A_413 : i32 to vector<56x222xi32>
    %shift_right_logical3A_415 = arith.shrui %xor3A_408, %shift_right_logical3A_414 : vector<56x222xi32>
    %or3A_416 = arith.ori %shift_left3A_412, %shift_right_logical3A_415 : vector<56x222xi32>
    %xor3A_417 = arith.xori %or3A_416, %add3A_409 : vector<56x222xi32>
    %add3A_418 = arith.constant 42 : i32
    %add3A_419 = vector.broadcast %add3A_418 : i32 to vector<56x222xi32>
    %add3A_420 = arith.addi %add3A_409, %add3A_419 : vector<56x222xi32>
    %add3A_421 = arith.constant 466689012 : i32
    %add3A_422 = vector.broadcast %add3A_421 : i32 to vector<56x222xi32>
    %add3A_423 = arith.addi %xor3A_417, %add3A_422 : vector<56x222xi32>
    %add3A_424 = arith.addi %add3A_420, %add3A_423 : vector<56x222xi32>
    %shift_left3A_425 = arith.constant 13 : i32
    %shift_left3A_426 = vector.broadcast %shift_left3A_425 : i32 to vector<56x222xi32>
    %shift_left3A_427 = arith.shli %add3A_423, %shift_left3A_426 : vector<56x222xi32>
    %shift_right_logical3A_428 = arith.constant 19 : i32
    %shift_right_logical3A_429 = vector.broadcast %shift_right_logical3A_428 : i32 to vector<56x222xi32>
    %shift_right_logical3A_430 = arith.shrui %add3A_423, %shift_right_logical3A_429 : vector<56x222xi32>
    %or3A_431 = arith.ori %shift_left3A_427, %shift_right_logical3A_430 : vector<56x222xi32>
    %xor3A_432 = arith.xori %or3A_431, %add3A_424 : vector<56x222xi32>
    %add3A_433 = arith.addi %add3A_424, %xor3A_432 : vector<56x222xi32>
    %shift_left3A_434 = arith.constant 15 : i32
    %shift_left3A_435 = vector.broadcast %shift_left3A_434 : i32 to vector<56x222xi32>
    %shift_left3A_436 = arith.shli %xor3A_432, %shift_left3A_435 : vector<56x222xi32>
    %shift_right_logical3A_437 = arith.constant 17 : i32
    %shift_right_logical3A_438 = vector.broadcast %shift_right_logical3A_437 : i32 to vector<56x222xi32>
    %shift_right_logical3A_439 = arith.shrui %xor3A_432, %shift_right_logical3A_438 : vector<56x222xi32>
    %or3A_440 = arith.ori %shift_left3A_436, %shift_right_logical3A_439 : vector<56x222xi32>
    %xor3A_441 = arith.xori %or3A_440, %add3A_433 : vector<56x222xi32>
    %add3A_442 = arith.addi %add3A_433, %xor3A_441 : vector<56x222xi32>
    %shift_left3A_443 = arith.constant 26 : i32
    %shift_left3A_444 = vector.broadcast %shift_left3A_443 : i32 to vector<56x222xi32>
    %shift_left3A_445 = arith.shli %xor3A_441, %shift_left3A_444 : vector<56x222xi32>
    %shift_right_logical3A_446 = arith.constant 6 : i32
    %shift_right_logical3A_447 = vector.broadcast %shift_right_logical3A_446 : i32 to vector<56x222xi32>
    %shift_right_logical3A_448 = arith.shrui %xor3A_441, %shift_right_logical3A_447 : vector<56x222xi32>
    %or3A_449 = arith.ori %shift_left3A_445, %shift_right_logical3A_448 : vector<56x222xi32>
    %xor3A_450 = arith.xori %or3A_449, %add3A_442 : vector<56x222xi32>
    %add3A_451 = arith.addi %add3A_442, %xor3A_450 : vector<56x222xi32>
    %shift_left3A_452 = arith.constant 6 : i32
    %shift_left3A_453 = vector.broadcast %shift_left3A_452 : i32 to vector<56x222xi32>
    %shift_left3A_454 = arith.shli %xor3A_450, %shift_left3A_453 : vector<56x222xi32>
    %shift_right_logical3A_455 = arith.constant 26 : i32
    %shift_right_logical3A_456 = vector.broadcast %shift_right_logical3A_455 : i32 to vector<56x222xi32>
    %shift_right_logical3A_457 = arith.shrui %xor3A_450, %shift_right_logical3A_456 : vector<56x222xi32>
    %or3A_458 = arith.ori %shift_left3A_454, %shift_right_logical3A_457 : vector<56x222xi32>
    %xor3A_459 = arith.xori %or3A_458, %add3A_451 : vector<56x222xi32>
    %add3A_460 = arith.constant 466689008 : i32
    %add3A_461 = vector.broadcast %add3A_460 : i32 to vector<56x222xi32>
    %add3A_462 = arith.addi %add3A_451, %add3A_461 : vector<56x222xi32>
    %add3A_463 = arith.constant 5 : i32
    %add3A_464 = vector.broadcast %add3A_463 : i32 to vector<56x222xi32>
    %add3A_465 = arith.addi %xor3A_459, %add3A_464 : vector<56x222xi32>
    %xor3A_466 = arith.xori %add3A_462, %add3A_465 : vector<56x222xi32>
    %shift_right_logical3A_467 = arith.constant 9 : i32
    %shift_right_logical3A_468 = vector.broadcast %shift_right_logical3A_467 : i32 to vector<56x222xi32>
    %shift_right_logical3A_469 = arith.shrui %xor3A_466, %shift_right_logical3A_468 : vector<56x222xi32>
    %or3A_470 = arith.constant 1065353216 : i32
    %or3A_471 = vector.broadcast %or3A_470 : i32 to vector<56x222xi32>
    %or3A_472 = arith.ori %shift_right_logical3A_469, %or3A_471 : vector<56x222xi32>
    %bitcast_convert_type3A_473 = tpu.bitcast %or3A_472 : vector<56x222xi32> -> vector<56x222xf32>
    %sub3A_474 = arith.constant 1.000000e+00 : f32
    %sub3A_475 = vector.broadcast %sub3A_474 : f32 to vector<56x222xf32>
    %sub3A_476 = arith.subf %bitcast_convert_type3A_473, %sub3A_475 : vector<56x222xf32>
    %max3A_477 = arith.constant 1.17549435E-38 : f32
    %max3A_478 = vector.broadcast %max3A_477 : f32 to vector<56x222xf32>
    %max3A_479 = arith.maximumf %sub3A_476, %max3A_478 : vector<56x222xf32>
    %max3A_480 = arith.constant 0.000000e+00 : f32
    %max3A_481 = vector.broadcast %max3A_480 : f32 to vector<56x222xf32>
    %max3A_482 = arith.maximumf %slice3A_256, %max3A_481 : vector<56x222xf32>
    %log3A_483 = math.log %max3A_479 : vector<56x222xf32>
    %neg3A_484 = arith.constant 0.000000e+00 : f32
    %neg3A_485 = vector.broadcast %neg3A_484 : f32 to vector<56x222xf32>
    %neg3A_486 = arith.subf %neg3A_485, %log3A_483 : vector<56x222xf32>
    %div3A_487 = arith.divf %max3A_482, %neg3A_486 : vector<56x222xf32>
    %select_n3A_488 = arith.select %le3A_24, %max3A_479, %div3A_487 : vector<56x222xi1>, vector<56x222xf32>
    %gt3A_489 = arith.cmpf ogt, %select_n3A_488, %select_n3A_254 : vector<56x222xf32>
    %select_n3A_490 = arith.select %gt3A_489, %select_n3A_488, %select_n3A_254 : vector<56x222xi1>, vector<56x222xf32>
    %select_n3A_491 = arith.select %gt3A_489, %slice3A_256, %select_n3A_255 : vector<56x222xi1>, vector<56x222xf32>
    %slice3A_492 = vector.extract_strided_slice %get3A_7 {offsets = [0, 2], sizes = [56, 222], strides = [1, 1]} : vector<64x224xf32> to vector<56x222xf32>
    %add3A_493 = arith.constant 2 : i32
    %add3A_494 = vector.broadcast %add3A_493 : i32 to vector<56x222xi32>
    %add3A_495 = arith.addi %add3A_27, %add3A_494 : vector<56x222xi32>
    %shift_left3A_496 = arith.constant 13 : i32
    %shift_left3A_497 = vector.broadcast %shift_left3A_496 : i32 to vector<56x222xi32>
    %shift_left3A_498 = arith.shli %add3A_495, %shift_left3A_497 : vector<56x222xi32>
    %shift_right_logical3A_499 = arith.constant 19 : i32
    %shift_right_logical3A_500 = vector.broadcast %shift_right_logical3A_499 : i32 to vector<56x222xi32>
    %shift_right_logical3A_501 = arith.shrui %add3A_495, %shift_right_logical3A_500 : vector<56x222xi32>
    %or3A_502 = arith.ori %shift_left3A_498, %shift_right_logical3A_501 : vector<56x222xi32>
    %xor3A_503 = arith.xori %or3A_502, %add3A_495 : vector<56x222xi32>
    %add3A_504 = arith.addi %add3A_495, %xor3A_503 : vector<56x222xi32>
    %shift_left3A_505 = arith.constant 15 : i32
    %shift_left3A_506 = vector.broadcast %shift_left3A_505 : i32 to vector<56x222xi32>
    %shift_left3A_507 = arith.shli %xor3A_503, %shift_left3A_506 : vector<56x222xi32>
    %shift_right_logical3A_508 = arith.constant 17 : i32
    %shift_right_logical3A_509 = vector.broadcast %shift_right_logical3A_508 : i32 to vector<56x222xi32>
    %shift_right_logical3A_510 = arith.shrui %xor3A_503, %shift_right_logical3A_509 : vector<56x222xi32>
    %or3A_511 = arith.ori %shift_left3A_507, %shift_right_logical3A_510 : vector<56x222xi32>
    %xor3A_512 = arith.xori %or3A_511, %add3A_504 : vector<56x222xi32>
    %add3A_513 = arith.addi %add3A_504, %xor3A_512 : vector<56x222xi32>
    %shift_left3A_514 = arith.constant 26 : i32
    %shift_left3A_515 = vector.broadcast %shift_left3A_514 : i32 to vector<56x222xi32>
    %shift_left3A_516 = arith.shli %xor3A_512, %shift_left3A_515 : vector<56x222xi32>
    %shift_right_logical3A_517 = arith.constant 6 : i32
    %shift_right_logical3A_518 = vector.broadcast %shift_right_logical3A_517 : i32 to vector<56x222xi32>
    %shift_right_logical3A_519 = arith.shrui %xor3A_512, %shift_right_logical3A_518 : vector<56x222xi32>
    %or3A_520 = arith.ori %shift_left3A_516, %shift_right_logical3A_519 : vector<56x222xi32>
    %xor3A_521 = arith.xori %or3A_520, %add3A_513 : vector<56x222xi32>
    %add3A_522 = arith.addi %add3A_513, %xor3A_521 : vector<56x222xi32>
    %shift_left3A_523 = arith.constant 6 : i32
    %shift_left3A_524 = vector.broadcast %shift_left3A_523 : i32 to vector<56x222xi32>
    %shift_left3A_525 = arith.shli %xor3A_521, %shift_left3A_524 : vector<56x222xi32>
    %shift_right_logical3A_526 = arith.constant 26 : i32
    %shift_right_logical3A_527 = vector.broadcast %shift_right_logical3A_526 : i32 to vector<56x222xi32>
    %shift_right_logical3A_528 = arith.shrui %xor3A_521, %shift_right_logical3A_527 : vector<56x222xi32>
    %or3A_529 = arith.ori %shift_left3A_525, %shift_right_logical3A_528 : vector<56x222xi32>
    %xor3A_530 = arith.xori %or3A_529, %add3A_522 : vector<56x222xi32>
    %add3A_531 = arith.constant 42 : i32
    %add3A_532 = vector.broadcast %add3A_531 : i32 to vector<56x222xi32>
    %add3A_533 = arith.addi %add3A_522, %add3A_532 : vector<56x222xi32>
    %add3A_534 = arith.constant 466689009 : i32
    %add3A_535 = vector.broadcast %add3A_534 : i32 to vector<56x222xi32>
    %add3A_536 = arith.addi %xor3A_530, %add3A_535 : vector<56x222xi32>
    %add3A_537 = arith.addi %add3A_533, %add3A_536 : vector<56x222xi32>
    %shift_left3A_538 = arith.constant 17 : i32
    %shift_left3A_539 = vector.broadcast %shift_left3A_538 : i32 to vector<56x222xi32>
    %shift_left3A_540 = arith.shli %add3A_536, %shift_left3A_539 : vector<56x222xi32>
    %shift_right_logical3A_541 = arith.constant 15 : i32
    %shift_right_logical3A_542 = vector.broadcast %shift_right_logical3A_541 : i32 to vector<56x222xi32>
    %shift_right_logical3A_543 = arith.shrui %add3A_536, %shift_right_logical3A_542 : vector<56x222xi32>
    %or3A_544 = arith.ori %shift_left3A_540, %shift_right_logical3A_543 : vector<56x222xi32>
    %xor3A_545 = arith.xori %or3A_544, %add3A_537 : vector<56x222xi32>
    %add3A_546 = arith.addi %add3A_537, %xor3A_545 : vector<56x222xi32>
    %shift_left3A_547 = arith.constant 29 : i32
    %shift_left3A_548 = vector.broadcast %shift_left3A_547 : i32 to vector<56x222xi32>
    %shift_left3A_549 = arith.shli %xor3A_545, %shift_left3A_548 : vector<56x222xi32>
    %shift_right_logical3A_550 = arith.constant 3 : i32
    %shift_right_logical3A_551 = vector.broadcast %shift_right_logical3A_550 : i32 to vector<56x222xi32>
    %shift_right_logical3A_552 = arith.shrui %xor3A_545, %shift_right_logical3A_551 : vector<56x222xi32>
    %or3A_553 = arith.ori %shift_left3A_549, %shift_right_logical3A_552 : vector<56x222xi32>
    %xor3A_554 = arith.xori %or3A_553, %add3A_546 : vector<56x222xi32>
    %add3A_555 = arith.addi %add3A_546, %xor3A_554 : vector<56x222xi32>
    %shift_left3A_556 = arith.constant 16 : i32
    %shift_left3A_557 = vector.broadcast %shift_left3A_556 : i32 to vector<56x222xi32>
    %shift_left3A_558 = arith.shli %xor3A_554, %shift_left3A_557 : vector<56x222xi32>
    %shift_right_logical3A_559 = arith.constant 16 : i32
    %shift_right_logical3A_560 = vector.broadcast %shift_right_logical3A_559 : i32 to vector<56x222xi32>
    %shift_right_logical3A_561 = arith.shrui %xor3A_554, %shift_right_logical3A_560 : vector<56x222xi32>
    %or3A_562 = arith.ori %shift_left3A_558, %shift_right_logical3A_561 : vector<56x222xi32>
    %xor3A_563 = arith.xori %or3A_562, %add3A_555 : vector<56x222xi32>
    %add3A_564 = arith.addi %add3A_555, %xor3A_563 : vector<56x222xi32>
    %shift_left3A_565 = arith.constant 24 : i32
    %shift_left3A_566 = vector.broadcast %shift_left3A_565 : i32 to vector<56x222xi32>
    %shift_left3A_567 = arith.shli %xor3A_563, %shift_left3A_566 : vector<56x222xi32>
    %shift_right_logical3A_568 = arith.constant 8 : i32
    %shift_right_logical3A_569 = vector.broadcast %shift_right_logical3A_568 : i32 to vector<56x222xi32>
    %shift_right_logical3A_570 = arith.shrui %xor3A_563, %shift_right_logical3A_569 : vector<56x222xi32>
    %or3A_571 = arith.ori %shift_left3A_567, %shift_right_logical3A_570 : vector<56x222xi32>
    %xor3A_572 = arith.xori %or3A_571, %add3A_564 : vector<56x222xi32>
    %add3A_573 = arith.constant 466689008 : i32
    %add3A_574 = vector.broadcast %add3A_573 : i32 to vector<56x222xi32>
    %add3A_575 = arith.addi %add3A_564, %add3A_574 : vector<56x222xi32>
    %add3A_576 = arith.constant 2 : i32
    %add3A_577 = vector.broadcast %add3A_576 : i32 to vector<56x222xi32>
    %add3A_578 = arith.addi %xor3A_572, %add3A_577 : vector<56x222xi32>
    %add3A_579 = arith.addi %add3A_575, %add3A_578 : vector<56x222xi32>
    %shift_left3A_580 = arith.constant 13 : i32
    %shift_left3A_581 = vector.broadcast %shift_left3A_580 : i32 to vector<56x222xi32>
    %shift_left3A_582 = arith.shli %add3A_578, %shift_left3A_581 : vector<56x222xi32>
    %shift_right_logical3A_583 = arith.constant 19 : i32
    %shift_right_logical3A_584 = vector.broadcast %shift_right_logical3A_583 : i32 to vector<56x222xi32>
    %shift_right_logical3A_585 = arith.shrui %add3A_578, %shift_right_logical3A_584 : vector<56x222xi32>
    %or3A_586 = arith.ori %shift_left3A_582, %shift_right_logical3A_585 : vector<56x222xi32>
    %xor3A_587 = arith.xori %or3A_586, %add3A_579 : vector<56x222xi32>
    %add3A_588 = arith.addi %add3A_579, %xor3A_587 : vector<56x222xi32>
    %shift_left3A_589 = arith.constant 15 : i32
    %shift_left3A_590 = vector.broadcast %shift_left3A_589 : i32 to vector<56x222xi32>
    %shift_left3A_591 = arith.shli %xor3A_587, %shift_left3A_590 : vector<56x222xi32>
    %shift_right_logical3A_592 = arith.constant 17 : i32
    %shift_right_logical3A_593 = vector.broadcast %shift_right_logical3A_592 : i32 to vector<56x222xi32>
    %shift_right_logical3A_594 = arith.shrui %xor3A_587, %shift_right_logical3A_593 : vector<56x222xi32>
    %or3A_595 = arith.ori %shift_left3A_591, %shift_right_logical3A_594 : vector<56x222xi32>
    %xor3A_596 = arith.xori %or3A_595, %add3A_588 : vector<56x222xi32>
    %add3A_597 = arith.addi %add3A_588, %xor3A_596 : vector<56x222xi32>
    %shift_left3A_598 = arith.constant 26 : i32
    %shift_left3A_599 = vector.broadcast %shift_left3A_598 : i32 to vector<56x222xi32>
    %shift_left3A_600 = arith.shli %xor3A_596, %shift_left3A_599 : vector<56x222xi32>
    %shift_right_logical3A_601 = arith.constant 6 : i32
    %shift_right_logical3A_602 = vector.broadcast %shift_right_logical3A_601 : i32 to vector<56x222xi32>
    %shift_right_logical3A_603 = arith.shrui %xor3A_596, %shift_right_logical3A_602 : vector<56x222xi32>
    %or3A_604 = arith.ori %shift_left3A_600, %shift_right_logical3A_603 : vector<56x222xi32>
    %xor3A_605 = arith.xori %or3A_604, %add3A_597 : vector<56x222xi32>
    %add3A_606 = arith.addi %add3A_597, %xor3A_605 : vector<56x222xi32>
    %shift_left3A_607 = arith.constant 6 : i32
    %shift_left3A_608 = vector.broadcast %shift_left3A_607 : i32 to vector<56x222xi32>
    %shift_left3A_609 = arith.shli %xor3A_605, %shift_left3A_608 : vector<56x222xi32>
    %shift_right_logical3A_610 = arith.constant 26 : i32
    %shift_right_logical3A_611 = vector.broadcast %shift_right_logical3A_610 : i32 to vector<56x222xi32>
    %shift_right_logical3A_612 = arith.shrui %xor3A_605, %shift_right_logical3A_611 : vector<56x222xi32>
    %or3A_613 = arith.ori %shift_left3A_609, %shift_right_logical3A_612 : vector<56x222xi32>
    %xor3A_614 = arith.xori %or3A_613, %add3A_606 : vector<56x222xi32>
    %add3A_615 = arith.constant 45 : i32
    %add3A_616 = vector.broadcast %add3A_615 : i32 to vector<56x222xi32>
    %add3A_617 = arith.addi %xor3A_614, %add3A_616 : vector<56x222xi32>
    %add3A_618 = arith.addi %add3A_606, %add3A_617 : vector<56x222xi32>
    %shift_left3A_619 = arith.constant 17 : i32
    %shift_left3A_620 = vector.broadcast %shift_left3A_619 : i32 to vector<56x222xi32>
    %shift_left3A_621 = arith.shli %add3A_617, %shift_left3A_620 : vector<56x222xi32>
    %shift_right_logical3A_622 = arith.constant 15 : i32
    %shift_right_logical3A_623 = vector.broadcast %shift_right_logical3A_622 : i32 to vector<56x222xi32>
    %shift_right_logical3A_624 = arith.shrui %add3A_617, %shift_right_logical3A_623 : vector<56x222xi32>
    %or3A_625 = arith.ori %shift_left3A_621, %shift_right_logical3A_624 : vector<56x222xi32>
    %xor3A_626 = arith.xori %or3A_625, %add3A_618 : vector<56x222xi32>
    %add3A_627 = arith.addi %add3A_618, %xor3A_626 : vector<56x222xi32>
    %shift_left3A_628 = arith.constant 29 : i32
    %shift_left3A_629 = vector.broadcast %shift_left3A_628 : i32 to vector<56x222xi32>
    %shift_left3A_630 = arith.shli %xor3A_626, %shift_left3A_629 : vector<56x222xi32>
    %shift_right_logical3A_631 = arith.constant 3 : i32
    %shift_right_logical3A_632 = vector.broadcast %shift_right_logical3A_631 : i32 to vector<56x222xi32>
    %shift_right_logical3A_633 = arith.shrui %xor3A_626, %shift_right_logical3A_632 : vector<56x222xi32>
    %or3A_634 = arith.ori %shift_left3A_630, %shift_right_logical3A_633 : vector<56x222xi32>
    %xor3A_635 = arith.xori %or3A_634, %add3A_627 : vector<56x222xi32>
    %add3A_636 = arith.addi %add3A_627, %xor3A_635 : vector<56x222xi32>
    %shift_left3A_637 = arith.constant 16 : i32
    %shift_left3A_638 = vector.broadcast %shift_left3A_637 : i32 to vector<56x222xi32>
    %shift_left3A_639 = arith.shli %xor3A_635, %shift_left3A_638 : vector<56x222xi32>
    %shift_right_logical3A_640 = arith.constant 16 : i32
    %shift_right_logical3A_641 = vector.broadcast %shift_right_logical3A_640 : i32 to vector<56x222xi32>
    %shift_right_logical3A_642 = arith.shrui %xor3A_635, %shift_right_logical3A_641 : vector<56x222xi32>
    %or3A_643 = arith.ori %shift_left3A_639, %shift_right_logical3A_642 : vector<56x222xi32>
    %xor3A_644 = arith.xori %or3A_643, %add3A_636 : vector<56x222xi32>
    %add3A_645 = arith.addi %add3A_636, %xor3A_644 : vector<56x222xi32>
    %shift_left3A_646 = arith.constant 24 : i32
    %shift_left3A_647 = vector.broadcast %shift_left3A_646 : i32 to vector<56x222xi32>
    %shift_left3A_648 = arith.shli %xor3A_644, %shift_left3A_647 : vector<56x222xi32>
    %shift_right_logical3A_649 = arith.constant 8 : i32
    %shift_right_logical3A_650 = vector.broadcast %shift_right_logical3A_649 : i32 to vector<56x222xi32>
    %shift_right_logical3A_651 = arith.shrui %xor3A_644, %shift_right_logical3A_650 : vector<56x222xi32>
    %or3A_652 = arith.ori %shift_left3A_648, %shift_right_logical3A_651 : vector<56x222xi32>
    %xor3A_653 = arith.xori %or3A_652, %add3A_645 : vector<56x222xi32>
    %add3A_654 = arith.constant 42 : i32
    %add3A_655 = vector.broadcast %add3A_654 : i32 to vector<56x222xi32>
    %add3A_656 = arith.addi %add3A_645, %add3A_655 : vector<56x222xi32>
    %add3A_657 = arith.constant 466689012 : i32
    %add3A_658 = vector.broadcast %add3A_657 : i32 to vector<56x222xi32>
    %add3A_659 = arith.addi %xor3A_653, %add3A_658 : vector<56x222xi32>
    %add3A_660 = arith.addi %add3A_656, %add3A_659 : vector<56x222xi32>
    %shift_left3A_661 = arith.constant 13 : i32
    %shift_left3A_662 = vector.broadcast %shift_left3A_661 : i32 to vector<56x222xi32>
    %shift_left3A_663 = arith.shli %add3A_659, %shift_left3A_662 : vector<56x222xi32>
    %shift_right_logical3A_664 = arith.constant 19 : i32
    %shift_right_logical3A_665 = vector.broadcast %shift_right_logical3A_664 : i32 to vector<56x222xi32>
    %shift_right_logical3A_666 = arith.shrui %add3A_659, %shift_right_logical3A_665 : vector<56x222xi32>
    %or3A_667 = arith.ori %shift_left3A_663, %shift_right_logical3A_666 : vector<56x222xi32>
    %xor3A_668 = arith.xori %or3A_667, %add3A_660 : vector<56x222xi32>
    %add3A_669 = arith.addi %add3A_660, %xor3A_668 : vector<56x222xi32>
    %shift_left3A_670 = arith.constant 15 : i32
    %shift_left3A_671 = vector.broadcast %shift_left3A_670 : i32 to vector<56x222xi32>
    %shift_left3A_672 = arith.shli %xor3A_668, %shift_left3A_671 : vector<56x222xi32>
    %shift_right_logical3A_673 = arith.constant 17 : i32
    %shift_right_logical3A_674 = vector.broadcast %shift_right_logical3A_673 : i32 to vector<56x222xi32>
    %shift_right_logical3A_675 = arith.shrui %xor3A_668, %shift_right_logical3A_674 : vector<56x222xi32>
    %or3A_676 = arith.ori %shift_left3A_672, %shift_right_logical3A_675 : vector<56x222xi32>
    %xor3A_677 = arith.xori %or3A_676, %add3A_669 : vector<56x222xi32>
    %add3A_678 = arith.addi %add3A_669, %xor3A_677 : vector<56x222xi32>
    %shift_left3A_679 = arith.constant 26 : i32
    %shift_left3A_680 = vector.broadcast %shift_left3A_679 : i32 to vector<56x222xi32>
    %shift_left3A_681 = arith.shli %xor3A_677, %shift_left3A_680 : vector<56x222xi32>
    %shift_right_logical3A_682 = arith.constant 6 : i32
    %shift_right_logical3A_683 = vector.broadcast %shift_right_logical3A_682 : i32 to vector<56x222xi32>
    %shift_right_logical3A_684 = arith.shrui %xor3A_677, %shift_right_logical3A_683 : vector<56x222xi32>
    %or3A_685 = arith.ori %shift_left3A_681, %shift_right_logical3A_684 : vector<56x222xi32>
    %xor3A_686 = arith.xori %or3A_685, %add3A_678 : vector<56x222xi32>
    %add3A_687 = arith.addi %add3A_678, %xor3A_686 : vector<56x222xi32>
    %shift_left3A_688 = arith.constant 6 : i32
    %shift_left3A_689 = vector.broadcast %shift_left3A_688 : i32 to vector<56x222xi32>
    %shift_left3A_690 = arith.shli %xor3A_686, %shift_left3A_689 : vector<56x222xi32>
    %shift_right_logical3A_691 = arith.constant 26 : i32
    %shift_right_logical3A_692 = vector.broadcast %shift_right_logical3A_691 : i32 to vector<56x222xi32>
    %shift_right_logical3A_693 = arith.shrui %xor3A_686, %shift_right_logical3A_692 : vector<56x222xi32>
    %or3A_694 = arith.ori %shift_left3A_690, %shift_right_logical3A_693 : vector<56x222xi32>
    %xor3A_695 = arith.xori %or3A_694, %add3A_687 : vector<56x222xi32>
    %add3A_696 = arith.constant 466689008 : i32
    %add3A_697 = vector.broadcast %add3A_696 : i32 to vector<56x222xi32>
    %add3A_698 = arith.addi %add3A_687, %add3A_697 : vector<56x222xi32>
    %add3A_699 = arith.constant 5 : i32
    %add3A_700 = vector.broadcast %add3A_699 : i32 to vector<56x222xi32>
    %add3A_701 = arith.addi %xor3A_695, %add3A_700 : vector<56x222xi32>
    %xor3A_702 = arith.xori %add3A_698, %add3A_701 : vector<56x222xi32>
    %shift_right_logical3A_703 = arith.constant 9 : i32
    %shift_right_logical3A_704 = vector.broadcast %shift_right_logical3A_703 : i32 to vector<56x222xi32>
    %shift_right_logical3A_705 = arith.shrui %xor3A_702, %shift_right_logical3A_704 : vector<56x222xi32>
    %or3A_706 = arith.constant 1065353216 : i32
    %or3A_707 = vector.broadcast %or3A_706 : i32 to vector<56x222xi32>
    %or3A_708 = arith.ori %shift_right_logical3A_705, %or3A_707 : vector<56x222xi32>
    %bitcast_convert_type3A_709 = tpu.bitcast %or3A_708 : vector<56x222xi32> -> vector<56x222xf32>
    %sub3A_710 = arith.constant 1.000000e+00 : f32
    %sub3A_711 = vector.broadcast %sub3A_710 : f32 to vector<56x222xf32>
    %sub3A_712 = arith.subf %bitcast_convert_type3A_709, %sub3A_711 : vector<56x222xf32>
    %max3A_713 = arith.constant 1.17549435E-38 : f32
    %max3A_714 = vector.broadcast %max3A_713 : f32 to vector<56x222xf32>
    %max3A_715 = arith.maximumf %sub3A_712, %max3A_714 : vector<56x222xf32>
    %max3A_716 = arith.constant 0.000000e+00 : f32
    %max3A_717 = vector.broadcast %max3A_716 : f32 to vector<56x222xf32>
    %max3A_718 = arith.maximumf %slice3A_492, %max3A_717 : vector<56x222xf32>
    %log3A_719 = math.log %max3A_715 : vector<56x222xf32>
    %neg3A_720 = arith.constant 0.000000e+00 : f32
    %neg3A_721 = vector.broadcast %neg3A_720 : f32 to vector<56x222xf32>
    %neg3A_722 = arith.subf %neg3A_721, %log3A_719 : vector<56x222xf32>
    %div3A_723 = arith.divf %max3A_718, %neg3A_722 : vector<56x222xf32>
    %select_n3A_724 = arith.select %le3A_24, %max3A_715, %div3A_723 : vector<56x222xi1>, vector<56x222xf32>
    %gt3A_725 = arith.cmpf ogt, %select_n3A_724, %select_n3A_490 : vector<56x222xf32>
    %select_n3A_726 = arith.select %gt3A_725, %select_n3A_724, %select_n3A_490 : vector<56x222xi1>, vector<56x222xf32>
    %select_n3A_727 = arith.select %gt3A_725, %slice3A_492, %select_n3A_491 : vector<56x222xi1>, vector<56x222xf32>
    %slice3A_728 = vector.extract_strided_slice %get3A_7 {offsets = [1, 0], sizes = [56, 222], strides = [1, 1]} : vector<64x224xf32> to vector<56x222xf32>
    %add3A_729 = arith.constant 3 : i32
    %add3A_730 = vector.broadcast %add3A_729 : i32 to vector<56x222xi32>
    %add3A_731 = arith.addi %add3A_27, %add3A_730 : vector<56x222xi32>
    %shift_left3A_732 = arith.constant 13 : i32
    %shift_left3A_733 = vector.broadcast %shift_left3A_732 : i32 to vector<56x222xi32>
    %shift_left3A_734 = arith.shli %add3A_731, %shift_left3A_733 : vector<56x222xi32>
    %shift_right_logical3A_735 = arith.constant 19 : i32
    %shift_right_logical3A_736 = vector.broadcast %shift_right_logical3A_735 : i32 to vector<56x222xi32>
    %shift_right_logical3A_737 = arith.shrui %add3A_731, %shift_right_logical3A_736 : vector<56x222xi32>
    %or3A_738 = arith.ori %shift_left3A_734, %shift_right_logical3A_737 : vector<56x222xi32>
    %xor3A_739 = arith.xori %or3A_738, %add3A_731 : vector<56x222xi32>
    %add3A_740 = arith.addi %add3A_731, %xor3A_739 : vector<56x222xi32>
    %shift_left3A_741 = arith.constant 15 : i32
    %shift_left3A_742 = vector.broadcast %shift_left3A_741 : i32 to vector<56x222xi32>
    %shift_left3A_743 = arith.shli %xor3A_739, %shift_left3A_742 : vector<56x222xi32>
    %shift_right_logical3A_744 = arith.constant 17 : i32
    %shift_right_logical3A_745 = vector.broadcast %shift_right_logical3A_744 : i32 to vector<56x222xi32>
    %shift_right_logical3A_746 = arith.shrui %xor3A_739, %shift_right_logical3A_745 : vector<56x222xi32>
    %or3A_747 = arith.ori %shift_left3A_743, %shift_right_logical3A_746 : vector<56x222xi32>
    %xor3A_748 = arith.xori %or3A_747, %add3A_740 : vector<56x222xi32>
    %add3A_749 = arith.addi %add3A_740, %xor3A_748 : vector<56x222xi32>
    %shift_left3A_750 = arith.constant 26 : i32
    %shift_left3A_751 = vector.broadcast %shift_left3A_750 : i32 to vector<56x222xi32>
    %shift_left3A_752 = arith.shli %xor3A_748, %shift_left3A_751 : vector<56x222xi32>
    %shift_right_logical3A_753 = arith.constant 6 : i32
    %shift_right_logical3A_754 = vector.broadcast %shift_right_logical3A_753 : i32 to vector<56x222xi32>
    %shift_right_logical3A_755 = arith.shrui %xor3A_748, %shift_right_logical3A_754 : vector<56x222xi32>
    %or3A_756 = arith.ori %shift_left3A_752, %shift_right_logical3A_755 : vector<56x222xi32>
    %xor3A_757 = arith.xori %or3A_756, %add3A_749 : vector<56x222xi32>
    %add3A_758 = arith.addi %add3A_749, %xor3A_757 : vector<56x222xi32>
    %shift_left3A_759 = arith.constant 6 : i32
    %shift_left3A_760 = vector.broadcast %shift_left3A_759 : i32 to vector<56x222xi32>
    %shift_left3A_761 = arith.shli %xor3A_757, %shift_left3A_760 : vector<56x222xi32>
    %shift_right_logical3A_762 = arith.constant 26 : i32
    %shift_right_logical3A_763 = vector.broadcast %shift_right_logical3A_762 : i32 to vector<56x222xi32>
    %shift_right_logical3A_764 = arith.shrui %xor3A_757, %shift_right_logical3A_763 : vector<56x222xi32>
    %or3A_765 = arith.ori %shift_left3A_761, %shift_right_logical3A_764 : vector<56x222xi32>
    %xor3A_766 = arith.xori %or3A_765, %add3A_758 : vector<56x222xi32>
    %add3A_767 = arith.constant 42 : i32
    %add3A_768 = vector.broadcast %add3A_767 : i32 to vector<56x222xi32>
    %add3A_769 = arith.addi %add3A_758, %add3A_768 : vector<56x222xi32>
    %add3A_770 = arith.constant 466689009 : i32
    %add3A_771 = vector.broadcast %add3A_770 : i32 to vector<56x222xi32>
    %add3A_772 = arith.addi %xor3A_766, %add3A_771 : vector<56x222xi32>
    %add3A_773 = arith.addi %add3A_769, %add3A_772 : vector<56x222xi32>
    %shift_left3A_774 = arith.constant 17 : i32
    %shift_left3A_775 = vector.broadcast %shift_left3A_774 : i32 to vector<56x222xi32>
    %shift_left3A_776 = arith.shli %add3A_772, %shift_left3A_775 : vector<56x222xi32>
    %shift_right_logical3A_777 = arith.constant 15 : i32
    %shift_right_logical3A_778 = vector.broadcast %shift_right_logical3A_777 : i32 to vector<56x222xi32>
    %shift_right_logical3A_779 = arith.shrui %add3A_772, %shift_right_logical3A_778 : vector<56x222xi32>
    %or3A_780 = arith.ori %shift_left3A_776, %shift_right_logical3A_779 : vector<56x222xi32>
    %xor3A_781 = arith.xori %or3A_780, %add3A_773 : vector<56x222xi32>
    %add3A_782 = arith.addi %add3A_773, %xor3A_781 : vector<56x222xi32>
    %shift_left3A_783 = arith.constant 29 : i32
    %shift_left3A_784 = vector.broadcast %shift_left3A_783 : i32 to vector<56x222xi32>
    %shift_left3A_785 = arith.shli %xor3A_781, %shift_left3A_784 : vector<56x222xi32>
    %shift_right_logical3A_786 = arith.constant 3 : i32
    %shift_right_logical3A_787 = vector.broadcast %shift_right_logical3A_786 : i32 to vector<56x222xi32>
    %shift_right_logical3A_788 = arith.shrui %xor3A_781, %shift_right_logical3A_787 : vector<56x222xi32>
    %or3A_789 = arith.ori %shift_left3A_785, %shift_right_logical3A_788 : vector<56x222xi32>
    %xor3A_790 = arith.xori %or3A_789, %add3A_782 : vector<56x222xi32>
    %add3A_791 = arith.addi %add3A_782, %xor3A_790 : vector<56x222xi32>
    %shift_left3A_792 = arith.constant 16 : i32
    %shift_left3A_793 = vector.broadcast %shift_left3A_792 : i32 to vector<56x222xi32>
    %shift_left3A_794 = arith.shli %xor3A_790, %shift_left3A_793 : vector<56x222xi32>
    %shift_right_logical3A_795 = arith.constant 16 : i32
    %shift_right_logical3A_796 = vector.broadcast %shift_right_logical3A_795 : i32 to vector<56x222xi32>
    %shift_right_logical3A_797 = arith.shrui %xor3A_790, %shift_right_logical3A_796 : vector<56x222xi32>
    %or3A_798 = arith.ori %shift_left3A_794, %shift_right_logical3A_797 : vector<56x222xi32>
    %xor3A_799 = arith.xori %or3A_798, %add3A_791 : vector<56x222xi32>
    %add3A_800 = arith.addi %add3A_791, %xor3A_799 : vector<56x222xi32>
    %shift_left3A_801 = arith.constant 24 : i32
    %shift_left3A_802 = vector.broadcast %shift_left3A_801 : i32 to vector<56x222xi32>
    %shift_left3A_803 = arith.shli %xor3A_799, %shift_left3A_802 : vector<56x222xi32>
    %shift_right_logical3A_804 = arith.constant 8 : i32
    %shift_right_logical3A_805 = vector.broadcast %shift_right_logical3A_804 : i32 to vector<56x222xi32>
    %shift_right_logical3A_806 = arith.shrui %xor3A_799, %shift_right_logical3A_805 : vector<56x222xi32>
    %or3A_807 = arith.ori %shift_left3A_803, %shift_right_logical3A_806 : vector<56x222xi32>
    %xor3A_808 = arith.xori %or3A_807, %add3A_800 : vector<56x222xi32>
    %add3A_809 = arith.constant 466689008 : i32
    %add3A_810 = vector.broadcast %add3A_809 : i32 to vector<56x222xi32>
    %add3A_811 = arith.addi %add3A_800, %add3A_810 : vector<56x222xi32>
    %add3A_812 = arith.constant 2 : i32
    %add3A_813 = vector.broadcast %add3A_812 : i32 to vector<56x222xi32>
    %add3A_814 = arith.addi %xor3A_808, %add3A_813 : vector<56x222xi32>
    %add3A_815 = arith.addi %add3A_811, %add3A_814 : vector<56x222xi32>
    %shift_left3A_816 = arith.constant 13 : i32
    %shift_left3A_817 = vector.broadcast %shift_left3A_816 : i32 to vector<56x222xi32>
    %shift_left3A_818 = arith.shli %add3A_814, %shift_left3A_817 : vector<56x222xi32>
    %shift_right_logical3A_819 = arith.constant 19 : i32
    %shift_right_logical3A_820 = vector.broadcast %shift_right_logical3A_819 : i32 to vector<56x222xi32>
    %shift_right_logical3A_821 = arith.shrui %add3A_814, %shift_right_logical3A_820 : vector<56x222xi32>
    %or3A_822 = arith.ori %shift_left3A_818, %shift_right_logical3A_821 : vector<56x222xi32>
    %xor3A_823 = arith.xori %or3A_822, %add3A_815 : vector<56x222xi32>
    %add3A_824 = arith.addi %add3A_815, %xor3A_823 : vector<56x222xi32>
    %shift_left3A_825 = arith.constant 15 : i32
    %shift_left3A_826 = vector.broadcast %shift_left3A_825 : i32 to vector<56x222xi32>
    %shift_left3A_827 = arith.shli %xor3A_823, %shift_left3A_826 : vector<56x222xi32>
    %shift_right_logical3A_828 = arith.constant 17 : i32
    %shift_right_logical3A_829 = vector.broadcast %shift_right_logical3A_828 : i32 to vector<56x222xi32>
    %shift_right_logical3A_830 = arith.shrui %xor3A_823, %shift_right_logical3A_829 : vector<56x222xi32>
    %or3A_831 = arith.ori %shift_left3A_827, %shift_right_logical3A_830 : vector<56x222xi32>
    %xor3A_832 = arith.xori %or3A_831, %add3A_824 : vector<56x222xi32>
    %add3A_833 = arith.addi %add3A_824, %xor3A_832 : vector<56x222xi32>
    %shift_left3A_834 = arith.constant 26 : i32
    %shift_left3A_835 = vector.broadcast %shift_left3A_834 : i32 to vector<56x222xi32>
    %shift_left3A_836 = arith.shli %xor3A_832, %shift_left3A_835 : vector<56x222xi32>
    %shift_right_logical3A_837 = arith.constant 6 : i32
    %shift_right_logical3A_838 = vector.broadcast %shift_right_logical3A_837 : i32 to vector<56x222xi32>
    %shift_right_logical3A_839 = arith.shrui %xor3A_832, %shift_right_logical3A_838 : vector<56x222xi32>
    %or3A_840 = arith.ori %shift_left3A_836, %shift_right_logical3A_839 : vector<56x222xi32>
    %xor3A_841 = arith.xori %or3A_840, %add3A_833 : vector<56x222xi32>
    %add3A_842 = arith.addi %add3A_833, %xor3A_841 : vector<56x222xi32>
    %shift_left3A_843 = arith.constant 6 : i32
    %shift_left3A_844 = vector.broadcast %shift_left3A_843 : i32 to vector<56x222xi32>
    %shift_left3A_845 = arith.shli %xor3A_841, %shift_left3A_844 : vector<56x222xi32>
    %shift_right_logical3A_846 = arith.constant 26 : i32
    %shift_right_logical3A_847 = vector.broadcast %shift_right_logical3A_846 : i32 to vector<56x222xi32>
    %shift_right_logical3A_848 = arith.shrui %xor3A_841, %shift_right_logical3A_847 : vector<56x222xi32>
    %or3A_849 = arith.ori %shift_left3A_845, %shift_right_logical3A_848 : vector<56x222xi32>
    %xor3A_850 = arith.xori %or3A_849, %add3A_842 : vector<56x222xi32>
    %add3A_851 = arith.constant 45 : i32
    %add3A_852 = vector.broadcast %add3A_851 : i32 to vector<56x222xi32>
    %add3A_853 = arith.addi %xor3A_850, %add3A_852 : vector<56x222xi32>
    %add3A_854 = arith.addi %add3A_842, %add3A_853 : vector<56x222xi32>
    %shift_left3A_855 = arith.constant 17 : i32
    %shift_left3A_856 = vector.broadcast %shift_left3A_855 : i32 to vector<56x222xi32>
    %shift_left3A_857 = arith.shli %add3A_853, %shift_left3A_856 : vector<56x222xi32>
    %shift_right_logical3A_858 = arith.constant 15 : i32
    %shift_right_logical3A_859 = vector.broadcast %shift_right_logical3A_858 : i32 to vector<56x222xi32>
    %shift_right_logical3A_860 = arith.shrui %add3A_853, %shift_right_logical3A_859 : vector<56x222xi32>
    %or3A_861 = arith.ori %shift_left3A_857, %shift_right_logical3A_860 : vector<56x222xi32>
    %xor3A_862 = arith.xori %or3A_861, %add3A_854 : vector<56x222xi32>
    %add3A_863 = arith.addi %add3A_854, %xor3A_862 : vector<56x222xi32>
    %shift_left3A_864 = arith.constant 29 : i32
    %shift_left3A_865 = vector.broadcast %shift_left3A_864 : i32 to vector<56x222xi32>
    %shift_left3A_866 = arith.shli %xor3A_862, %shift_left3A_865 : vector<56x222xi32>
    %shift_right_logical3A_867 = arith.constant 3 : i32
    %shift_right_logical3A_868 = vector.broadcast %shift_right_logical3A_867 : i32 to vector<56x222xi32>
    %shift_right_logical3A_869 = arith.shrui %xor3A_862, %shift_right_logical3A_868 : vector<56x222xi32>
    %or3A_870 = arith.ori %shift_left3A_866, %shift_right_logical3A_869 : vector<56x222xi32>
    %xor3A_871 = arith.xori %or3A_870, %add3A_863 : vector<56x222xi32>
    %add3A_872 = arith.addi %add3A_863, %xor3A_871 : vector<56x222xi32>
    %shift_left3A_873 = arith.constant 16 : i32
    %shift_left3A_874 = vector.broadcast %shift_left3A_873 : i32 to vector<56x222xi32>
    %shift_left3A_875 = arith.shli %xor3A_871, %shift_left3A_874 : vector<56x222xi32>
    %shift_right_logical3A_876 = arith.constant 16 : i32
    %shift_right_logical3A_877 = vector.broadcast %shift_right_logical3A_876 : i32 to vector<56x222xi32>
    %shift_right_logical3A_878 = arith.shrui %xor3A_871, %shift_right_logical3A_877 : vector<56x222xi32>
    %or3A_879 = arith.ori %shift_left3A_875, %shift_right_logical3A_878 : vector<56x222xi32>
    %xor3A_880 = arith.xori %or3A_879, %add3A_872 : vector<56x222xi32>
    %add3A_881 = arith.addi %add3A_872, %xor3A_880 : vector<56x222xi32>
    %shift_left3A_882 = arith.constant 24 : i32
    %shift_left3A_883 = vector.broadcast %shift_left3A_882 : i32 to vector<56x222xi32>
    %shift_left3A_884 = arith.shli %xor3A_880, %shift_left3A_883 : vector<56x222xi32>
    %shift_right_logical3A_885 = arith.constant 8 : i32
    %shift_right_logical3A_886 = vector.broadcast %shift_right_logical3A_885 : i32 to vector<56x222xi32>
    %shift_right_logical3A_887 = arith.shrui %xor3A_880, %shift_right_logical3A_886 : vector<56x222xi32>
    %or3A_888 = arith.ori %shift_left3A_884, %shift_right_logical3A_887 : vector<56x222xi32>
    %xor3A_889 = arith.xori %or3A_888, %add3A_881 : vector<56x222xi32>
    %add3A_890 = arith.constant 42 : i32
    %add3A_891 = vector.broadcast %add3A_890 : i32 to vector<56x222xi32>
    %add3A_892 = arith.addi %add3A_881, %add3A_891 : vector<56x222xi32>
    %add3A_893 = arith.constant 466689012 : i32
    %add3A_894 = vector.broadcast %add3A_893 : i32 to vector<56x222xi32>
    %add3A_895 = arith.addi %xor3A_889, %add3A_894 : vector<56x222xi32>
    %add3A_896 = arith.addi %add3A_892, %add3A_895 : vector<56x222xi32>
    %shift_left3A_897 = arith.constant 13 : i32
    %shift_left3A_898 = vector.broadcast %shift_left3A_897 : i32 to vector<56x222xi32>
    %shift_left3A_899 = arith.shli %add3A_895, %shift_left3A_898 : vector<56x222xi32>
    %shift_right_logical3A_900 = arith.constant 19 : i32
    %shift_right_logical3A_901 = vector.broadcast %shift_right_logical3A_900 : i32 to vector<56x222xi32>
    %shift_right_logical3A_902 = arith.shrui %add3A_895, %shift_right_logical3A_901 : vector<56x222xi32>
    %or3A_903 = arith.ori %shift_left3A_899, %shift_right_logical3A_902 : vector<56x222xi32>
    %xor3A_904 = arith.xori %or3A_903, %add3A_896 : vector<56x222xi32>
    %add3A_905 = arith.addi %add3A_896, %xor3A_904 : vector<56x222xi32>
    %shift_left3A_906 = arith.constant 15 : i32
    %shift_left3A_907 = vector.broadcast %shift_left3A_906 : i32 to vector<56x222xi32>
    %shift_left3A_908 = arith.shli %xor3A_904, %shift_left3A_907 : vector<56x222xi32>
    %shift_right_logical3A_909 = arith.constant 17 : i32
    %shift_right_logical3A_910 = vector.broadcast %shift_right_logical3A_909 : i32 to vector<56x222xi32>
    %shift_right_logical3A_911 = arith.shrui %xor3A_904, %shift_right_logical3A_910 : vector<56x222xi32>
    %or3A_912 = arith.ori %shift_left3A_908, %shift_right_logical3A_911 : vector<56x222xi32>
    %xor3A_913 = arith.xori %or3A_912, %add3A_905 : vector<56x222xi32>
    %add3A_914 = arith.addi %add3A_905, %xor3A_913 : vector<56x222xi32>
    %shift_left3A_915 = arith.constant 26 : i32
    %shift_left3A_916 = vector.broadcast %shift_left3A_915 : i32 to vector<56x222xi32>
    %shift_left3A_917 = arith.shli %xor3A_913, %shift_left3A_916 : vector<56x222xi32>
    %shift_right_logical3A_918 = arith.constant 6 : i32
    %shift_right_logical3A_919 = vector.broadcast %shift_right_logical3A_918 : i32 to vector<56x222xi32>
    %shift_right_logical3A_920 = arith.shrui %xor3A_913, %shift_right_logical3A_919 : vector<56x222xi32>
    %or3A_921 = arith.ori %shift_left3A_917, %shift_right_logical3A_920 : vector<56x222xi32>
    %xor3A_922 = arith.xori %or3A_921, %add3A_914 : vector<56x222xi32>
    %add3A_923 = arith.addi %add3A_914, %xor3A_922 : vector<56x222xi32>
    %shift_left3A_924 = arith.constant 6 : i32
    %shift_left3A_925 = vector.broadcast %shift_left3A_924 : i32 to vector<56x222xi32>
    %shift_left3A_926 = arith.shli %xor3A_922, %shift_left3A_925 : vector<56x222xi32>
    %shift_right_logical3A_927 = arith.constant 26 : i32
    %shift_right_logical3A_928 = vector.broadcast %shift_right_logical3A_927 : i32 to vector<56x222xi32>
    %shift_right_logical3A_929 = arith.shrui %xor3A_922, %shift_right_logical3A_928 : vector<56x222xi32>
    %or3A_930 = arith.ori %shift_left3A_926, %shift_right_logical3A_929 : vector<56x222xi32>
    %xor3A_931 = arith.xori %or3A_930, %add3A_923 : vector<56x222xi32>
    %add3A_932 = arith.constant 466689008 : i32
    %add3A_933 = vector.broadcast %add3A_932 : i32 to vector<56x222xi32>
    %add3A_934 = arith.addi %add3A_923, %add3A_933 : vector<56x222xi32>
    %add3A_935 = arith.constant 5 : i32
    %add3A_936 = vector.broadcast %add3A_935 : i32 to vector<56x222xi32>
    %add3A_937 = arith.addi %xor3A_931, %add3A_936 : vector<56x222xi32>
    %xor3A_938 = arith.xori %add3A_934, %add3A_937 : vector<56x222xi32>
    %shift_right_logical3A_939 = arith.constant 9 : i32
    %shift_right_logical3A_940 = vector.broadcast %shift_right_logical3A_939 : i32 to vector<56x222xi32>
    %shift_right_logical3A_941 = arith.shrui %xor3A_938, %shift_right_logical3A_940 : vector<56x222xi32>
    %or3A_942 = arith.constant 1065353216 : i32
    %or3A_943 = vector.broadcast %or3A_942 : i32 to vector<56x222xi32>
    %or3A_944 = arith.ori %shift_right_logical3A_941, %or3A_943 : vector<56x222xi32>
    %bitcast_convert_type3A_945 = tpu.bitcast %or3A_944 : vector<56x222xi32> -> vector<56x222xf32>
    %sub3A_946 = arith.constant 1.000000e+00 : f32
    %sub3A_947 = vector.broadcast %sub3A_946 : f32 to vector<56x222xf32>
    %sub3A_948 = arith.subf %bitcast_convert_type3A_945, %sub3A_947 : vector<56x222xf32>
    %max3A_949 = arith.constant 1.17549435E-38 : f32
    %max3A_950 = vector.broadcast %max3A_949 : f32 to vector<56x222xf32>
    %max3A_951 = arith.maximumf %sub3A_948, %max3A_950 : vector<56x222xf32>
    %max3A_952 = arith.constant 0.000000e+00 : f32
    %max3A_953 = vector.broadcast %max3A_952 : f32 to vector<56x222xf32>
    %max3A_954 = arith.maximumf %slice3A_728, %max3A_953 : vector<56x222xf32>
    %log3A_955 = math.log %max3A_951 : vector<56x222xf32>
    %neg3A_956 = arith.constant 0.000000e+00 : f32
    %neg3A_957 = vector.broadcast %neg3A_956 : f32 to vector<56x222xf32>
    %neg3A_958 = arith.subf %neg3A_957, %log3A_955 : vector<56x222xf32>
    %div3A_959 = arith.divf %max3A_954, %neg3A_958 : vector<56x222xf32>
    %select_n3A_960 = arith.select %le3A_24, %max3A_951, %div3A_959 : vector<56x222xi1>, vector<56x222xf32>
    %gt3A_961 = arith.cmpf ogt, %select_n3A_960, %select_n3A_726 : vector<56x222xf32>
    %select_n3A_962 = arith.select %gt3A_961, %select_n3A_960, %select_n3A_726 : vector<56x222xi1>, vector<56x222xf32>
    %select_n3A_963 = arith.select %gt3A_961, %slice3A_728, %select_n3A_727 : vector<56x222xi1>, vector<56x222xf32>
    %slice3A_964 = vector.extract_strided_slice %get3A_7 {offsets = [1, 1], sizes = [56, 222], strides = [1, 1]} : vector<64x224xf32> to vector<56x222xf32>
    %add3A_965 = arith.constant 4 : i32
    %add3A_966 = vector.broadcast %add3A_965 : i32 to vector<56x222xi32>
    %add3A_967 = arith.addi %add3A_27, %add3A_966 : vector<56x222xi32>
    %shift_left3A_968 = arith.constant 13 : i32
    %shift_left3A_969 = vector.broadcast %shift_left3A_968 : i32 to vector<56x222xi32>
    %shift_left3A_970 = arith.shli %add3A_967, %shift_left3A_969 : vector<56x222xi32>
    %shift_right_logical3A_971 = arith.constant 19 : i32
    %shift_right_logical3A_972 = vector.broadcast %shift_right_logical3A_971 : i32 to vector<56x222xi32>
    %shift_right_logical3A_973 = arith.shrui %add3A_967, %shift_right_logical3A_972 : vector<56x222xi32>
    %or3A_974 = arith.ori %shift_left3A_970, %shift_right_logical3A_973 : vector<56x222xi32>
    %xor3A_975 = arith.xori %or3A_974, %add3A_967 : vector<56x222xi32>
    %add3A_976 = arith.addi %add3A_967, %xor3A_975 : vector<56x222xi32>
    %shift_left3A_977 = arith.constant 15 : i32
    %shift_left3A_978 = vector.broadcast %shift_left3A_977 : i32 to vector<56x222xi32>
    %shift_left3A_979 = arith.shli %xor3A_975, %shift_left3A_978 : vector<56x222xi32>
    %shift_right_logical3A_980 = arith.constant 17 : i32
    %shift_right_logical3A_981 = vector.broadcast %shift_right_logical3A_980 : i32 to vector<56x222xi32>
    %shift_right_logical3A_982 = arith.shrui %xor3A_975, %shift_right_logical3A_981 : vector<56x222xi32>
    %or3A_983 = arith.ori %shift_left3A_979, %shift_right_logical3A_982 : vector<56x222xi32>
    %xor3A_984 = arith.xori %or3A_983, %add3A_976 : vector<56x222xi32>
    %add3A_985 = arith.addi %add3A_976, %xor3A_984 : vector<56x222xi32>
    %shift_left3A_986 = arith.constant 26 : i32
    %shift_left3A_987 = vector.broadcast %shift_left3A_986 : i32 to vector<56x222xi32>
    %shift_left3A_988 = arith.shli %xor3A_984, %shift_left3A_987 : vector<56x222xi32>
    %shift_right_logical3A_989 = arith.constant 6 : i32
    %shift_right_logical3A_990 = vector.broadcast %shift_right_logical3A_989 : i32 to vector<56x222xi32>
    %shift_right_logical3A_991 = arith.shrui %xor3A_984, %shift_right_logical3A_990 : vector<56x222xi32>
    %or3A_992 = arith.ori %shift_left3A_988, %shift_right_logical3A_991 : vector<56x222xi32>
    %xor3A_993 = arith.xori %or3A_992, %add3A_985 : vector<56x222xi32>
    %add3A_994 = arith.addi %add3A_985, %xor3A_993 : vector<56x222xi32>
    %shift_left3A_995 = arith.constant 6 : i32
    %shift_left3A_996 = vector.broadcast %shift_left3A_995 : i32 to vector<56x222xi32>
    %shift_left3A_997 = arith.shli %xor3A_993, %shift_left3A_996 : vector<56x222xi32>
    %shift_right_logical3A_998 = arith.constant 26 : i32
    %shift_right_logical3A_999 = vector.broadcast %shift_right_logical3A_998 : i32 to vector<56x222xi32>
    %shift_right_logical3A_1000 = arith.shrui %xor3A_993, %shift_right_logical3A_999 : vector<56x222xi32>
    %or3A_1001 = arith.ori %shift_left3A_997, %shift_right_logical3A_1000 : vector<56x222xi32>
    %xor3A_1002 = arith.xori %or3A_1001, %add3A_994 : vector<56x222xi32>
    %add3A_1003 = arith.constant 42 : i32
    %add3A_1004 = vector.broadcast %add3A_1003 : i32 to vector<56x222xi32>
    %add3A_1005 = arith.addi %add3A_994, %add3A_1004 : vector<56x222xi32>
    %add3A_1006 = arith.constant 466689009 : i32
    %add3A_1007 = vector.broadcast %add3A_1006 : i32 to vector<56x222xi32>
    %add3A_1008 = arith.addi %xor3A_1002, %add3A_1007 : vector<56x222xi32>
    %add3A_1009 = arith.addi %add3A_1005, %add3A_1008 : vector<56x222xi32>
    %shift_left3A_1010 = arith.constant 17 : i32
    %shift_left3A_1011 = vector.broadcast %shift_left3A_1010 : i32 to vector<56x222xi32>
    %shift_left3A_1012 = arith.shli %add3A_1008, %shift_left3A_1011 : vector<56x222xi32>
    %shift_right_logical3A_1013 = arith.constant 15 : i32
    %shift_right_logical3A_1014 = vector.broadcast %shift_right_logical3A_1013 : i32 to vector<56x222xi32>
    %shift_right_logical3A_1015 = arith.shrui %add3A_1008, %shift_right_logical3A_1014 : vector<56x222xi32>
    %or3A_1016 = arith.ori %shift_left3A_1012, %shift_right_logical3A_1015 : vector<56x222xi32>
    %xor3A_1017 = arith.xori %or3A_1016, %add3A_1009 : vector<56x222xi32>
    %add3A_1018 = arith.addi %add3A_1009, %xor3A_1017 : vector<56x222xi32>
    %shift_left3A_1019 = arith.constant 29 : i32
    %shift_left3A_1020 = vector.broadcast %shift_left3A_1019 : i32 to vector<56x222xi32>
    %shift_left3A_1021 = arith.shli %xor3A_1017, %shift_left3A_1020 : vector<56x222xi32>
    %shift_right_logical3A_1022 = arith.constant 3 : i32
    %shift_right_logical3A_1023 = vector.broadcast %shift_right_logical3A_1022 : i32 to vector<56x222xi32>
    %shift_right_logical3A_1024 = arith.shrui %xor3A_1017, %shift_right_logical3A_1023 : vector<56x222xi32>
    %or3A_1025 = arith.ori %shift_left3A_1021, %shift_right_logical3A_1024 : vector<56x222xi32>
    %xor3A_1026 = arith.xori %or3A_1025, %add3A_1018 : vector<56x222xi32>
    %add3A_1027 = arith.addi %add3A_1018, %xor3A_1026 : vector<56x222xi32>
    %shift_left3A_1028 = arith.constant 16 : i32
    %shift_left3A_1029 = vector.broadcast %shift_left3A_1028 : i32 to vector<56x222xi32>
    %shift_left3A_1030 = arith.shli %xor3A_1026, %shift_left3A_1029 : vector<56x222xi32>
    %shift_right_logical3A_1031 = arith.constant 16 : i32
    %shift_right_logical3A_1032 = vector.broadcast %shift_right_logical3A_1031 : i32 to vector<56x222xi32>
    %shift_right_logical3A_1033 = arith.shrui %xor3A_1026, %shift_right_logical3A_1032 : vector<56x222xi32>
    %or3A_1034 = arith.ori %shift_left3A_1030, %shift_right_logical3A_1033 : vector<56x222xi32>
    %xor3A_1035 = arith.xori %or3A_1034, %add3A_1027 : vector<56x222xi32>
    %add3A_1036 = arith.addi %add3A_1027, %xor3A_1035 : vector<56x222xi32>
    %shift_left3A_1037 = arith.constant 24 : i32
    %shift_left3A_1038 = vector.broadcast %shift_left3A_1037 : i32 to vector<56x222xi32>
    %shift_left3A_1039 = arith.shli %xor3A_1035, %shift_left3A_1038 : vector<56x222xi32>
    %shift_right_logical3A_1040 = arith.constant 8 : i32
    %shift_right_logical3A_1041 = vector.broadcast %shift_right_logical3A_1040 : i32 to vector<56x222xi32>
    %shift_right_logical3A_1042 = arith.shrui %xor3A_1035, %shift_right_logical3A_1041 : vector<56x222xi32>
    %or3A_1043 = arith.ori %shift_left3A_1039, %shift_right_logical3A_1042 : vector<56x222xi32>
    %xor3A_1044 = arith.xori %or3A_1043, %add3A_1036 : vector<56x222xi32>
    %add3A_1045 = arith.constant 466689008 : i32
    %add3A_1046 = vector.broadcast %add3A_1045 : i32 to vector<56x222xi32>
    %add3A_1047 = arith.addi %add3A_1036, %add3A_1046 : vector<56x222xi32>
    %add3A_1048 = arith.constant 2 : i32
    %add3A_1049 = vector.broadcast %add3A_1048 : i32 to vector<56x222xi32>
    %add3A_1050 = arith.addi %xor3A_1044, %add3A_1049 : vector<56x222xi32>
    %add3A_1051 = arith.addi %add3A_1047, %add3A_1050 : vector<56x222xi32>
    %shift_left3A_1052 = arith.constant 13 : i32
    %shift_left3A_1053 = vector.broadcast %shift_left3A_1052 : i32 to vector<56x222xi32>
    %shift_left3A_1054 = arith.shli %add3A_1050, %shift_left3A_1053 : vector<56x222xi32>
    %shift_right_logical3A_1055 = arith.constant 19 : i32
    %shift_right_logical3A_1056 = vector.broadcast %shift_right_logical3A_1055 : i32 to vector<56x222xi32>
    %shift_right_logical3A_1057 = arith.shrui %add3A_1050, %shift_right_logical3A_1056 : vector<56x222xi32>
    %or3A_1058 = arith.ori %shift_left3A_1054, %shift_right_logical3A_1057 : vector<56x222xi32>
    %xor3A_1059 = arith.xori %or3A_1058, %add3A_1051 : vector<56x222xi32>
    %add3A_1060 = arith.addi %add3A_1051, %xor3A_1059 : vector<56x222xi32>
    %shift_left3A_1061 = arith.constant 15 : i32
    %shift_left3A_1062 = vector.broadcast %shift_left3A_1061 : i32 to vector<56x222xi32>
    %shift_left3A_1063 = arith.shli %xor3A_1059, %shift_left3A_1062 : vector<56x222xi32>
    %shift_right_logical3A_1064 = arith.constant 17 : i32
    %shift_right_logical3A_1065 = vector.broadcast %shift_right_logical3A_1064 : i32 to vector<56x222xi32>
    %shift_right_logical3A_1066 = arith.shrui %xor3A_1059, %shift_right_logical3A_1065 : vector<56x222xi32>
    %or3A_1067 = arith.ori %shift_left3A_1063, %shift_right_logical3A_1066 : vector<56x222xi32>
    %xor3A_1068 = arith.xori %or3A_1067, %add3A_1060 : vector<56x222xi32>
    %add3A_1069 = arith.addi %add3A_1060, %xor3A_1068 : vector<56x222xi32>
    %shift_left3A_1070 = arith.constant 26 : i32
    %shift_left3A_1071 = vector.broadcast %shift_left3A_1070 : i32 to vector<56x222xi32>
    %shift_left3A_1072 = arith.shli %xor3A_1068, %shift_left3A_1071 : vector<56x222xi32>
    %shift_right_logical3A_1073 = arith.constant 6 : i32
    %shift_right_logical3A_1074 = vector.broadcast %shift_right_logical3A_1073 : i32 to vector<56x222xi32>
    %shift_right_logical3A_1075 = arith.shrui %xor3A_1068, %shift_right_logical3A_1074 : vector<56x222xi32>
    %or3A_1076 = arith.ori %shift_left3A_1072, %shift_right_logical3A_1075 : vector<56x222xi32>
    %xor3A_1077 = arith.xori %or3A_1076, %add3A_1069 : vector<56x222xi32>
    %add3A_1078 = arith.addi %add3A_1069, %xor3A_1077 : vector<56x222xi32>
    %shift_left3A_1079 = arith.constant 6 : i32
    %shift_left3A_1080 = vector.broadcast %shift_left3A_1079 : i32 to vector<56x222xi32>
    %shift_left3A_1081 = arith.shli %xor3A_1077, %shift_left3A_1080 : vector<56x222xi32>
    %shift_right_logical3A_1082 = arith.constant 26 : i32
    %shift_right_logical3A_1083 = vector.broadcast %shift_right_logical3A_1082 : i32 to vector<56x222xi32>
    %shift_right_logical3A_1084 = arith.shrui %xor3A_1077, %shift_right_logical3A_1083 : vector<56x222xi32>
    %or3A_1085 = arith.ori %shift_left3A_1081, %shift_right_logical3A_1084 : vector<56x222xi32>
    %xor3A_1086 = arith.xori %or3A_1085, %add3A_1078 : vector<56x222xi32>
    %add3A_1087 = arith.constant 45 : i32
    %add3A_1088 = vector.broadcast %add3A_1087 : i32 to vector<56x222xi32>
    %add3A_1089 = arith.addi %xor3A_1086, %add3A_1088 : vector<56x222xi32>
    %add3A_1090 = arith.addi %add3A_1078, %add3A_1089 : vector<56x222xi32>
    %shift_left3A_1091 = arith.constant 17 : i32
    %shift_left3A_1092 = vector.broadcast %shift_left3A_1091 : i32 to vector<56x222xi32>
    %shift_left3A_1093 = arith.shli %add3A_1089, %shift_left3A_1092 : vector<56x222xi32>
    %shift_right_logical3A_1094 = arith.constant 15 : i32
    %shift_right_logical3A_1095 = vector.broadcast %shift_right_logical3A_1094 : i32 to vector<56x222xi32>
    %shift_right_logical3A_1096 = arith.shrui %add3A_1089, %shift_right_logical3A_1095 : vector<56x222xi32>
    %or3A_1097 = arith.ori %shift_left3A_1093, %shift_right_logical3A_1096 : vector<56x222xi32>
    %xor3A_1098 = arith.xori %or3A_1097, %add3A_1090 : vector<56x222xi32>
    %add3A_1099 = arith.addi %add3A_1090, %xor3A_1098 : vector<56x222xi32>
    %shift_left3A_1100 = arith.constant 29 : i32
    %shift_left3A_1101 = vector.broadcast %shift_left3A_1100 : i32 to vector<56x222xi32>
    %shift_left3A_1102 = arith.shli %xor3A_1098, %shift_left3A_1101 : vector<56x222xi32>
    %shift_right_logical3A_1103 = arith.constant 3 : i32
    %shift_right_logical3A_1104 = vector.broadcast %shift_right_logical3A_1103 : i32 to vector<56x222xi32>
    %shift_right_logical3A_1105 = arith.shrui %xor3A_1098, %shift_right_logical3A_1104 : vector<56x222xi32>
    %or3A_1106 = arith.ori %shift_left3A_1102, %shift_right_logical3A_1105 : vector<56x222xi32>
    %xor3A_1107 = arith.xori %or3A_1106, %add3A_1099 : vector<56x222xi32>
    %add3A_1108 = arith.addi %add3A_1099, %xor3A_1107 : vector<56x222xi32>
    %shift_left3A_1109 = arith.constant 16 : i32
    %shift_left3A_1110 = vector.broadcast %shift_left3A_1109 : i32 to vector<56x222xi32>
    %shift_left3A_1111 = arith.shli %xor3A_1107, %shift_left3A_1110 : vector<56x222xi32>
    %shift_right_logical3A_1112 = arith.constant 16 : i32
    %shift_right_logical3A_1113 = vector.broadcast %shift_right_logical3A_1112 : i32 to vector<56x222xi32>
    %shift_right_logical3A_1114 = arith.shrui %xor3A_1107, %shift_right_logical3A_1113 : vector<56x222xi32>
    %or3A_1115 = arith.ori %shift_left3A_1111, %shift_right_logical3A_1114 : vector<56x222xi32>
    %xor3A_1116 = arith.xori %or3A_1115, %add3A_1108 : vector<56x222xi32>
    %add3A_1117 = arith.addi %add3A_1108, %xor3A_1116 : vector<56x222xi32>
    %shift_left3A_1118 = arith.constant 24 : i32
    %shift_left3A_1119 = vector.broadcast %shift_left3A_1118 : i32 to vector<56x222xi32>
    %shift_left3A_1120 = arith.shli %xor3A_1116, %shift_left3A_1119 : vector<56x222xi32>
    %shift_right_logical3A_1121 = arith.constant 8 : i32
    %shift_right_logical3A_1122 = vector.broadcast %shift_right_logical3A_1121 : i32 to vector<56x222xi32>
    %shift_right_logical3A_1123 = arith.shrui %xor3A_1116, %shift_right_logical3A_1122 : vector<56x222xi32>
    %or3A_1124 = arith.ori %shift_left3A_1120, %shift_right_logical3A_1123 : vector<56x222xi32>
    %xor3A_1125 = arith.xori %or3A_1124, %add3A_1117 : vector<56x222xi32>
    %add3A_1126 = arith.constant 42 : i32
    %add3A_1127 = vector.broadcast %add3A_1126 : i32 to vector<56x222xi32>
    %add3A_1128 = arith.addi %add3A_1117, %add3A_1127 : vector<56x222xi32>
    %add3A_1129 = arith.constant 466689012 : i32
    %add3A_1130 = vector.broadcast %add3A_1129 : i32 to vector<56x222xi32>
    %add3A_1131 = arith.addi %xor3A_1125, %add3A_1130 : vector<56x222xi32>
    %add3A_1132 = arith.addi %add3A_1128, %add3A_1131 : vector<56x222xi32>
    %shift_left3A_1133 = arith.constant 13 : i32
    %shift_left3A_1134 = vector.broadcast %shift_left3A_1133 : i32 to vector<56x222xi32>
    %shift_left3A_1135 = arith.shli %add3A_1131, %shift_left3A_1134 : vector<56x222xi32>
    %shift_right_logical3A_1136 = arith.constant 19 : i32
    %shift_right_logical3A_1137 = vector.broadcast %shift_right_logical3A_1136 : i32 to vector<56x222xi32>
    %shift_right_logical3A_1138 = arith.shrui %add3A_1131, %shift_right_logical3A_1137 : vector<56x222xi32>
    %or3A_1139 = arith.ori %shift_left3A_1135, %shift_right_logical3A_1138 : vector<56x222xi32>
    %xor3A_1140 = arith.xori %or3A_1139, %add3A_1132 : vector<56x222xi32>
    %add3A_1141 = arith.addi %add3A_1132, %xor3A_1140 : vector<56x222xi32>
    %shift_left3A_1142 = arith.constant 15 : i32
    %shift_left3A_1143 = vector.broadcast %shift_left3A_1142 : i32 to vector<56x222xi32>
    %shift_left3A_1144 = arith.shli %xor3A_1140, %shift_left3A_1143 : vector<56x222xi32>
    %shift_right_logical3A_1145 = arith.constant 17 : i32
    %shift_right_logical3A_1146 = vector.broadcast %shift_right_logical3A_1145 : i32 to vector<56x222xi32>
    %shift_right_logical3A_1147 = arith.shrui %xor3A_1140, %shift_right_logical3A_1146 : vector<56x222xi32>
    %or3A_1148 = arith.ori %shift_left3A_1144, %shift_right_logical3A_1147 : vector<56x222xi32>
    %xor3A_1149 = arith.xori %or3A_1148, %add3A_1141 : vector<56x222xi32>
    %add3A_1150 = arith.addi %add3A_1141, %xor3A_1149 : vector<56x222xi32>
    %shift_left3A_1151 = arith.constant 26 : i32
    %shift_left3A_1152 = vector.broadcast %shift_left3A_1151 : i32 to vector<56x222xi32>
    %shift_left3A_1153 = arith.shli %xor3A_1149, %shift_left3A_1152 : vector<56x222xi32>
    %shift_right_logical3A_1154 = arith.constant 6 : i32
    %shift_right_logical3A_1155 = vector.broadcast %shift_right_logical3A_1154 : i32 to vector<56x222xi32>
    %shift_right_logical3A_1156 = arith.shrui %xor3A_1149, %shift_right_logical3A_1155 : vector<56x222xi32>
    %or3A_1157 = arith.ori %shift_left3A_1153, %shift_right_logical3A_1156 : vector<56x222xi32>
    %xor3A_1158 = arith.xori %or3A_1157, %add3A_1150 : vector<56x222xi32>
    %add3A_1159 = arith.addi %add3A_1150, %xor3A_1158 : vector<56x222xi32>
    %shift_left3A_1160 = arith.constant 6 : i32
    %shift_left3A_1161 = vector.broadcast %shift_left3A_1160 : i32 to vector<56x222xi32>
    %shift_left3A_1162 = arith.shli %xor3A_1158, %shift_left3A_1161 : vector<56x222xi32>
    %shift_right_logical3A_1163 = arith.constant 26 : i32
    %shift_right_logical3A_1164 = vector.broadcast %shift_right_logical3A_1163 : i32 to vector<56x222xi32>
    %shift_right_logical3A_1165 = arith.shrui %xor3A_1158, %shift_right_logical3A_1164 : vector<56x222xi32>
    %or3A_1166 = arith.ori %shift_left3A_1162, %shift_right_logical3A_1165 : vector<56x222xi32>
    %xor3A_1167 = arith.xori %or3A_1166, %add3A_1159 : vector<56x222xi32>
    %add3A_1168 = arith.constant 466689008 : i32
    %add3A_1169 = vector.broadcast %add3A_1168 : i32 to vector<56x222xi32>
    %add3A_1170 = arith.addi %add3A_1159, %add3A_1169 : vector<56x222xi32>
    %add3A_1171 = arith.constant 5 : i32
    %add3A_1172 = vector.broadcast %add3A_1171 : i32 to vector<56x222xi32>
    %add3A_1173 = arith.addi %xor3A_1167, %add3A_1172 : vector<56x222xi32>
    %xor3A_1174 = arith.xori %add3A_1170, %add3A_1173 : vector<56x222xi32>
    %shift_right_logical3A_1175 = arith.constant 9 : i32
    %shift_right_logical3A_1176 = vector.broadcast %shift_right_logical3A_1175 : i32 to vector<56x222xi32>
    %shift_right_logical3A_1177 = arith.shrui %xor3A_1174, %shift_right_logical3A_1176 : vector<56x222xi32>
    %or3A_1178 = arith.constant 1065353216 : i32
    %or3A_1179 = vector.broadcast %or3A_1178 : i32 to vector<56x222xi32>
    %or3A_1180 = arith.ori %shift_right_logical3A_1177, %or3A_1179 : vector<56x222xi32>
    %bitcast_convert_type3A_1181 = tpu.bitcast %or3A_1180 : vector<56x222xi32> -> vector<56x222xf32>
    %sub3A_1182 = arith.constant 1.000000e+00 : f32
    %sub3A_1183 = vector.broadcast %sub3A_1182 : f32 to vector<56x222xf32>
    %sub3A_1184 = arith.subf %bitcast_convert_type3A_1181, %sub3A_1183 : vector<56x222xf32>
    %max3A_1185 = arith.constant 1.17549435E-38 : f32
    %max3A_1186 = vector.broadcast %max3A_1185 : f32 to vector<56x222xf32>
    %max3A_1187 = arith.maximumf %sub3A_1184, %max3A_1186 : vector<56x222xf32>
    %max3A_1188 = arith.constant 0.000000e+00 : f32
    %max3A_1189 = vector.broadcast %max3A_1188 : f32 to vector<56x222xf32>
    %max3A_1190 = arith.maximumf %slice3A_964, %max3A_1189 : vector<56x222xf32>
    %log3A_1191 = math.log %max3A_1187 : vector<56x222xf32>
    %neg3A_1192 = arith.constant 0.000000e+00 : f32
    %neg3A_1193 = vector.broadcast %neg3A_1192 : f32 to vector<56x222xf32>
    %neg3A_1194 = arith.subf %neg3A_1193, %log3A_1191 : vector<56x222xf32>
    %div3A_1195 = arith.divf %max3A_1190, %neg3A_1194 : vector<56x222xf32>
    %select_n3A_1196 = arith.select %le3A_24, %max3A_1187, %div3A_1195 : vector<56x222xi1>, vector<56x222xf32>
    %gt3A_1197 = arith.cmpf ogt, %select_n3A_1196, %select_n3A_962 : vector<56x222xf32>
    %select_n3A_1198 = arith.select %gt3A_1197, %select_n3A_1196, %select_n3A_962 : vector<56x222xi1>, vector<56x222xf32>
    %select_n3A_1199 = arith.select %gt3A_1197, %slice3A_964, %select_n3A_963 : vector<56x222xi1>, vector<56x222xf32>
    %slice3A_1200 = vector.extract_strided_slice %get3A_7 {offsets = [1, 2], sizes = [56, 222], strides = [1, 1]} : vector<64x224xf32> to vector<56x222xf32>
    %add3A_1201 = arith.constant 5 : i32
    %add3A_1202 = vector.broadcast %add3A_1201 : i32 to vector<56x222xi32>
    %add3A_1203 = arith.addi %add3A_27, %add3A_1202 : vector<56x222xi32>
    %shift_left3A_1204 = arith.constant 13 : i32
    %shift_left3A_1205 = vector.broadcast %shift_left3A_1204 : i32 to vector<56x222xi32>
    %shift_left3A_1206 = arith.shli %add3A_1203, %shift_left3A_1205 : vector<56x222xi32>
    %shift_right_logical3A_1207 = arith.constant 19 : i32
    %shift_right_logical3A_1208 = vector.broadcast %shift_right_logical3A_1207 : i32 to vector<56x222xi32>
    %shift_right_logical3A_1209 = arith.shrui %add3A_1203, %shift_right_logical3A_1208 : vector<56x222xi32>
    %or3A_1210 = arith.ori %shift_left3A_1206, %shift_right_logical3A_1209 : vector<56x222xi32>
    %xor3A_1211 = arith.xori %or3A_1210, %add3A_1203 : vector<56x222xi32>
    %add3A_1212 = arith.addi %add3A_1203, %xor3A_1211 : vector<56x222xi32>
    %shift_left3A_1213 = arith.constant 15 : i32
    %shift_left3A_1214 = vector.broadcast %shift_left3A_1213 : i32 to vector<56x222xi32>
    %shift_left3A_1215 = arith.shli %xor3A_1211, %shift_left3A_1214 : vector<56x222xi32>
    %shift_right_logical3A_1216 = arith.constant 17 : i32
    %shift_right_logical3A_1217 = vector.broadcast %shift_right_logical3A_1216 : i32 to vector<56x222xi32>
    %shift_right_logical3A_1218 = arith.shrui %xor3A_1211, %shift_right_logical3A_1217 : vector<56x222xi32>
    %or3A_1219 = arith.ori %shift_left3A_1215, %shift_right_logical3A_1218 : vector<56x222xi32>
    %xor3A_1220 = arith.xori %or3A_1219, %add3A_1212 : vector<56x222xi32>
    %add3A_1221 = arith.addi %add3A_1212, %xor3A_1220 : vector<56x222xi32>
    %shift_left3A_1222 = arith.constant 26 : i32
    %shift_left3A_1223 = vector.broadcast %shift_left3A_1222 : i32 to vector<56x222xi32>
    %shift_left3A_1224 = arith.shli %xor3A_1220, %shift_left3A_1223 : vector<56x222xi32>
    %shift_right_logical3A_1225 = arith.constant 6 : i32
    %shift_right_logical3A_1226 = vector.broadcast %shift_right_logical3A_1225 : i32 to vector<56x222xi32>
    %shift_right_logical3A_1227 = arith.shrui %xor3A_1220, %shift_right_logical3A_1226 : vector<56x222xi32>
    %or3A_1228 = arith.ori %shift_left3A_1224, %shift_right_logical3A_1227 : vector<56x222xi32>
    %xor3A_1229 = arith.xori %or3A_1228, %add3A_1221 : vector<56x222xi32>
    %add3A_1230 = arith.addi %add3A_1221, %xor3A_1229 : vector<56x222xi32>
    %shift_left3A_1231 = arith.constant 6 : i32
    %shift_left3A_1232 = vector.broadcast %shift_left3A_1231 : i32 to vector<56x222xi32>
    %shift_left3A_1233 = arith.shli %xor3A_1229, %shift_left3A_1232 : vector<56x222xi32>
    %shift_right_logical3A_1234 = arith.constant 26 : i32
    %shift_right_logical3A_1235 = vector.broadcast %shift_right_logical3A_1234 : i32 to vector<56x222xi32>
    %shift_right_logical3A_1236 = arith.shrui %xor3A_1229, %shift_right_logical3A_1235 : vector<56x222xi32>
    %or3A_1237 = arith.ori %shift_left3A_1233, %shift_right_logical3A_1236 : vector<56x222xi32>
    %xor3A_1238 = arith.xori %or3A_1237, %add3A_1230 : vector<56x222xi32>
    %add3A_1239 = arith.constant 42 : i32
    %add3A_1240 = vector.broadcast %add3A_1239 : i32 to vector<56x222xi32>
    %add3A_1241 = arith.addi %add3A_1230, %add3A_1240 : vector<56x222xi32>
    %add3A_1242 = arith.constant 466689009 : i32
    %add3A_1243 = vector.broadcast %add3A_1242 : i32 to vector<56x222xi32>
    %add3A_1244 = arith.addi %xor3A_1238, %add3A_1243 : vector<56x222xi32>
    %add3A_1245 = arith.addi %add3A_1241, %add3A_1244 : vector<56x222xi32>
    %shift_left3A_1246 = arith.constant 17 : i32
    %shift_left3A_1247 = vector.broadcast %shift_left3A_1246 : i32 to vector<56x222xi32>
    %shift_left3A_1248 = arith.shli %add3A_1244, %shift_left3A_1247 : vector<56x222xi32>
    %shift_right_logical3A_1249 = arith.constant 15 : i32
    %shift_right_logical3A_1250 = vector.broadcast %shift_right_logical3A_1249 : i32 to vector<56x222xi32>
    %shift_right_logical3A_1251 = arith.shrui %add3A_1244, %shift_right_logical3A_1250 : vector<56x222xi32>
    %or3A_1252 = arith.ori %shift_left3A_1248, %shift_right_logical3A_1251 : vector<56x222xi32>
    %xor3A_1253 = arith.xori %or3A_1252, %add3A_1245 : vector<56x222xi32>
    %add3A_1254 = arith.addi %add3A_1245, %xor3A_1253 : vector<56x222xi32>
    %shift_left3A_1255 = arith.constant 29 : i32
    %shift_left3A_1256 = vector.broadcast %shift_left3A_1255 : i32 to vector<56x222xi32>
    %shift_left3A_1257 = arith.shli %xor3A_1253, %shift_left3A_1256 : vector<56x222xi32>
    %shift_right_logical3A_1258 = arith.constant 3 : i32
    %shift_right_logical3A_1259 = vector.broadcast %shift_right_logical3A_1258 : i32 to vector<56x222xi32>
    %shift_right_logical3A_1260 = arith.shrui %xor3A_1253, %shift_right_logical3A_1259 : vector<56x222xi32>
    %or3A_1261 = arith.ori %shift_left3A_1257, %shift_right_logical3A_1260 : vector<56x222xi32>
    %xor3A_1262 = arith.xori %or3A_1261, %add3A_1254 : vector<56x222xi32>
    %add3A_1263 = arith.addi %add3A_1254, %xor3A_1262 : vector<56x222xi32>
    %shift_left3A_1264 = arith.constant 16 : i32
    %shift_left3A_1265 = vector.broadcast %shift_left3A_1264 : i32 to vector<56x222xi32>
    %shift_left3A_1266 = arith.shli %xor3A_1262, %shift_left3A_1265 : vector<56x222xi32>
    %shift_right_logical3A_1267 = arith.constant 16 : i32
    %shift_right_logical3A_1268 = vector.broadcast %shift_right_logical3A_1267 : i32 to vector<56x222xi32>
    %shift_right_logical3A_1269 = arith.shrui %xor3A_1262, %shift_right_logical3A_1268 : vector<56x222xi32>
    %or3A_1270 = arith.ori %shift_left3A_1266, %shift_right_logical3A_1269 : vector<56x222xi32>
    %xor3A_1271 = arith.xori %or3A_1270, %add3A_1263 : vector<56x222xi32>
    %add3A_1272 = arith.addi %add3A_1263, %xor3A_1271 : vector<56x222xi32>
    %shift_left3A_1273 = arith.constant 24 : i32
    %shift_left3A_1274 = vector.broadcast %shift_left3A_1273 : i32 to vector<56x222xi32>
    %shift_left3A_1275 = arith.shli %xor3A_1271, %shift_left3A_1274 : vector<56x222xi32>
    %shift_right_logical3A_1276 = arith.constant 8 : i32
    %shift_right_logical3A_1277 = vector.broadcast %shift_right_logical3A_1276 : i32 to vector<56x222xi32>
    %shift_right_logical3A_1278 = arith.shrui %xor3A_1271, %shift_right_logical3A_1277 : vector<56x222xi32>
    %or3A_1279 = arith.ori %shift_left3A_1275, %shift_right_logical3A_1278 : vector<56x222xi32>
    %xor3A_1280 = arith.xori %or3A_1279, %add3A_1272 : vector<56x222xi32>
    %add3A_1281 = arith.constant 466689008 : i32
    %add3A_1282 = vector.broadcast %add3A_1281 : i32 to vector<56x222xi32>
    %add3A_1283 = arith.addi %add3A_1272, %add3A_1282 : vector<56x222xi32>
    %add3A_1284 = arith.constant 2 : i32
    %add3A_1285 = vector.broadcast %add3A_1284 : i32 to vector<56x222xi32>
    %add3A_1286 = arith.addi %xor3A_1280, %add3A_1285 : vector<56x222xi32>
    %add3A_1287 = arith.addi %add3A_1283, %add3A_1286 : vector<56x222xi32>
    %shift_left3A_1288 = arith.constant 13 : i32
    %shift_left3A_1289 = vector.broadcast %shift_left3A_1288 : i32 to vector<56x222xi32>
    %shift_left3A_1290 = arith.shli %add3A_1286, %shift_left3A_1289 : vector<56x222xi32>
    %shift_right_logical3A_1291 = arith.constant 19 : i32
    %shift_right_logical3A_1292 = vector.broadcast %shift_right_logical3A_1291 : i32 to vector<56x222xi32>
    %shift_right_logical3A_1293 = arith.shrui %add3A_1286, %shift_right_logical3A_1292 : vector<56x222xi32>
    %or3A_1294 = arith.ori %shift_left3A_1290, %shift_right_logical3A_1293 : vector<56x222xi32>
    %xor3A_1295 = arith.xori %or3A_1294, %add3A_1287 : vector<56x222xi32>
    %add3A_1296 = arith.addi %add3A_1287, %xor3A_1295 : vector<56x222xi32>
    %shift_left3A_1297 = arith.constant 15 : i32
    %shift_left3A_1298 = vector.broadcast %shift_left3A_1297 : i32 to vector<56x222xi32>
    %shift_left3A_1299 = arith.shli %xor3A_1295, %shift_left3A_1298 : vector<56x222xi32>
    %shift_right_logical3A_1300 = arith.constant 17 : i32
    %shift_right_logical3A_1301 = vector.broadcast %shift_right_logical3A_1300 : i32 to vector<56x222xi32>
    %shift_right_logical3A_1302 = arith.shrui %xor3A_1295, %shift_right_logical3A_1301 : vector<56x222xi32>
    %or3A_1303 = arith.ori %shift_left3A_1299, %shift_right_logical3A_1302 : vector<56x222xi32>
    %xor3A_1304 = arith.xori %or3A_1303, %add3A_1296 : vector<56x222xi32>
    %add3A_1305 = arith.addi %add3A_1296, %xor3A_1304 : vector<56x222xi32>
    %shift_left3A_1306 = arith.constant 26 : i32
    %shift_left3A_1307 = vector.broadcast %shift_left3A_1306 : i32 to vector<56x222xi32>
    %shift_left3A_1308 = arith.shli %xor3A_1304, %shift_left3A_1307 : vector<56x222xi32>
    %shift_right_logical3A_1309 = arith.constant 6 : i32
    %shift_right_logical3A_1310 = vector.broadcast %shift_right_logical3A_1309 : i32 to vector<56x222xi32>
    %shift_right_logical3A_1311 = arith.shrui %xor3A_1304, %shift_right_logical3A_1310 : vector<56x222xi32>
    %or3A_1312 = arith.ori %shift_left3A_1308, %shift_right_logical3A_1311 : vector<56x222xi32>
    %xor3A_1313 = arith.xori %or3A_1312, %add3A_1305 : vector<56x222xi32>
    %add3A_1314 = arith.addi %add3A_1305, %xor3A_1313 : vector<56x222xi32>
    %shift_left3A_1315 = arith.constant 6 : i32
    %shift_left3A_1316 = vector.broadcast %shift_left3A_1315 : i32 to vector<56x222xi32>
    %shift_left3A_1317 = arith.shli %xor3A_1313, %shift_left3A_1316 : vector<56x222xi32>
    %shift_right_logical3A_1318 = arith.constant 26 : i32
    %shift_right_logical3A_1319 = vector.broadcast %shift_right_logical3A_1318 : i32 to vector<56x222xi32>
    %shift_right_logical3A_1320 = arith.shrui %xor3A_1313, %shift_right_logical3A_1319 : vector<56x222xi32>
    %or3A_1321 = arith.ori %shift_left3A_1317, %shift_right_logical3A_1320 : vector<56x222xi32>
    %xor3A_1322 = arith.xori %or3A_1321, %add3A_1314 : vector<56x222xi32>
    %add3A_1323 = arith.constant 45 : i32
    %add3A_1324 = vector.broadcast %add3A_1323 : i32 to vector<56x222xi32>
    %add3A_1325 = arith.addi %xor3A_1322, %add3A_1324 : vector<56x222xi32>
    %add3A_1326 = arith.addi %add3A_1314, %add3A_1325 : vector<56x222xi32>
    %shift_left3A_1327 = arith.constant 17 : i32
    %shift_left3A_1328 = vector.broadcast %shift_left3A_1327 : i32 to vector<56x222xi32>
    %shift_left3A_1329 = arith.shli %add3A_1325, %shift_left3A_1328 : vector<56x222xi32>
    %shift_right_logical3A_1330 = arith.constant 15 : i32
    %shift_right_logical3A_1331 = vector.broadcast %shift_right_logical3A_1330 : i32 to vector<56x222xi32>
    %shift_right_logical3A_1332 = arith.shrui %add3A_1325, %shift_right_logical3A_1331 : vector<56x222xi32>
    %or3A_1333 = arith.ori %shift_left3A_1329, %shift_right_logical3A_1332 : vector<56x222xi32>
    %xor3A_1334 = arith.xori %or3A_1333, %add3A_1326 : vector<56x222xi32>
    %add3A_1335 = arith.addi %add3A_1326, %xor3A_1334 : vector<56x222xi32>
    %shift_left3A_1336 = arith.constant 29 : i32
    %shift_left3A_1337 = vector.broadcast %shift_left3A_1336 : i32 to vector<56x222xi32>
    %shift_left3A_1338 = arith.shli %xor3A_1334, %shift_left3A_1337 : vector<56x222xi32>
    %shift_right_logical3A_1339 = arith.constant 3 : i32
    %shift_right_logical3A_1340 = vector.broadcast %shift_right_logical3A_1339 : i32 to vector<56x222xi32>
    %shift_right_logical3A_1341 = arith.shrui %xor3A_1334, %shift_right_logical3A_1340 : vector<56x222xi32>
    %or3A_1342 = arith.ori %shift_left3A_1338, %shift_right_logical3A_1341 : vector<56x222xi32>
    %xor3A_1343 = arith.xori %or3A_1342, %add3A_1335 : vector<56x222xi32>
    %add3A_1344 = arith.addi %add3A_1335, %xor3A_1343 : vector<56x222xi32>
    %shift_left3A_1345 = arith.constant 16 : i32
    %shift_left3A_1346 = vector.broadcast %shift_left3A_1345 : i32 to vector<56x222xi32>
    %shift_left3A_1347 = arith.shli %xor3A_1343, %shift_left3A_1346 : vector<56x222xi32>
    %shift_right_logical3A_1348 = arith.constant 16 : i32
    %shift_right_logical3A_1349 = vector.broadcast %shift_right_logical3A_1348 : i32 to vector<56x222xi32>
    %shift_right_logical3A_1350 = arith.shrui %xor3A_1343, %shift_right_logical3A_1349 : vector<56x222xi32>
    %or3A_1351 = arith.ori %shift_left3A_1347, %shift_right_logical3A_1350 : vector<56x222xi32>
    %xor3A_1352 = arith.xori %or3A_1351, %add3A_1344 : vector<56x222xi32>
    %add3A_1353 = arith.addi %add3A_1344, %xor3A_1352 : vector<56x222xi32>
    %shift_left3A_1354 = arith.constant 24 : i32
    %shift_left3A_1355 = vector.broadcast %shift_left3A_1354 : i32 to vector<56x222xi32>
    %shift_left3A_1356 = arith.shli %xor3A_1352, %shift_left3A_1355 : vector<56x222xi32>
    %shift_right_logical3A_1357 = arith.constant 8 : i32
    %shift_right_logical3A_1358 = vector.broadcast %shift_right_logical3A_1357 : i32 to vector<56x222xi32>
    %shift_right_logical3A_1359 = arith.shrui %xor3A_1352, %shift_right_logical3A_1358 : vector<56x222xi32>
    %or3A_1360 = arith.ori %shift_left3A_1356, %shift_right_logical3A_1359 : vector<56x222xi32>
    %xor3A_1361 = arith.xori %or3A_1360, %add3A_1353 : vector<56x222xi32>
    %add3A_1362 = arith.constant 42 : i32
    %add3A_1363 = vector.broadcast %add3A_1362 : i32 to vector<56x222xi32>
    %add3A_1364 = arith.addi %add3A_1353, %add3A_1363 : vector<56x222xi32>
    %add3A_1365 = arith.constant 466689012 : i32
    %add3A_1366 = vector.broadcast %add3A_1365 : i32 to vector<56x222xi32>
    %add3A_1367 = arith.addi %xor3A_1361, %add3A_1366 : vector<56x222xi32>
    %add3A_1368 = arith.addi %add3A_1364, %add3A_1367 : vector<56x222xi32>
    %shift_left3A_1369 = arith.constant 13 : i32
    %shift_left3A_1370 = vector.broadcast %shift_left3A_1369 : i32 to vector<56x222xi32>
    %shift_left3A_1371 = arith.shli %add3A_1367, %shift_left3A_1370 : vector<56x222xi32>
    %shift_right_logical3A_1372 = arith.constant 19 : i32
    %shift_right_logical3A_1373 = vector.broadcast %shift_right_logical3A_1372 : i32 to vector<56x222xi32>
    %shift_right_logical3A_1374 = arith.shrui %add3A_1367, %shift_right_logical3A_1373 : vector<56x222xi32>
    %or3A_1375 = arith.ori %shift_left3A_1371, %shift_right_logical3A_1374 : vector<56x222xi32>
    %xor3A_1376 = arith.xori %or3A_1375, %add3A_1368 : vector<56x222xi32>
    %add3A_1377 = arith.addi %add3A_1368, %xor3A_1376 : vector<56x222xi32>
    %shift_left3A_1378 = arith.constant 15 : i32
    %shift_left3A_1379 = vector.broadcast %shift_left3A_1378 : i32 to vector<56x222xi32>
    %shift_left3A_1380 = arith.shli %xor3A_1376, %shift_left3A_1379 : vector<56x222xi32>
    %shift_right_logical3A_1381 = arith.constant 17 : i32
    %shift_right_logical3A_1382 = vector.broadcast %shift_right_logical3A_1381 : i32 to vector<56x222xi32>
    %shift_right_logical3A_1383 = arith.shrui %xor3A_1376, %shift_right_logical3A_1382 : vector<56x222xi32>
    %or3A_1384 = arith.ori %shift_left3A_1380, %shift_right_logical3A_1383 : vector<56x222xi32>
    %xor3A_1385 = arith.xori %or3A_1384, %add3A_1377 : vector<56x222xi32>
    %add3A_1386 = arith.addi %add3A_1377, %xor3A_1385 : vector<56x222xi32>
    %shift_left3A_1387 = arith.constant 26 : i32
    %shift_left3A_1388 = vector.broadcast %shift_left3A_1387 : i32 to vector<56x222xi32>
    %shift_left3A_1389 = arith.shli %xor3A_1385, %shift_left3A_1388 : vector<56x222xi32>
    %shift_right_logical3A_1390 = arith.constant 6 : i32
    %shift_right_logical3A_1391 = vector.broadcast %shift_right_logical3A_1390 : i32 to vector<56x222xi32>
    %shift_right_logical3A_1392 = arith.shrui %xor3A_1385, %shift_right_logical3A_1391 : vector<56x222xi32>
    %or3A_1393 = arith.ori %shift_left3A_1389, %shift_right_logical3A_1392 : vector<56x222xi32>
    %xor3A_1394 = arith.xori %or3A_1393, %add3A_1386 : vector<56x222xi32>
    %add3A_1395 = arith.addi %add3A_1386, %xor3A_1394 : vector<56x222xi32>
    %shift_left3A_1396 = arith.constant 6 : i32
    %shift_left3A_1397 = vector.broadcast %shift_left3A_1396 : i32 to vector<56x222xi32>
    %shift_left3A_1398 = arith.shli %xor3A_1394, %shift_left3A_1397 : vector<56x222xi32>
    %shift_right_logical3A_1399 = arith.constant 26 : i32
    %shift_right_logical3A_1400 = vector.broadcast %shift_right_logical3A_1399 : i32 to vector<56x222xi32>
    %shift_right_logical3A_1401 = arith.shrui %xor3A_1394, %shift_right_logical3A_1400 : vector<56x222xi32>
    %or3A_1402 = arith.ori %shift_left3A_1398, %shift_right_logical3A_1401 : vector<56x222xi32>
    %xor3A_1403 = arith.xori %or3A_1402, %add3A_1395 : vector<56x222xi32>
    %add3A_1404 = arith.constant 466689008 : i32
    %add3A_1405 = vector.broadcast %add3A_1404 : i32 to vector<56x222xi32>
    %add3A_1406 = arith.addi %add3A_1395, %add3A_1405 : vector<56x222xi32>
    %add3A_1407 = arith.constant 5 : i32
    %add3A_1408 = vector.broadcast %add3A_1407 : i32 to vector<56x222xi32>
    %add3A_1409 = arith.addi %xor3A_1403, %add3A_1408 : vector<56x222xi32>
    %xor3A_1410 = arith.xori %add3A_1406, %add3A_1409 : vector<56x222xi32>
    %shift_right_logical3A_1411 = arith.constant 9 : i32
    %shift_right_logical3A_1412 = vector.broadcast %shift_right_logical3A_1411 : i32 to vector<56x222xi32>
    %shift_right_logical3A_1413 = arith.shrui %xor3A_1410, %shift_right_logical3A_1412 : vector<56x222xi32>
    %or3A_1414 = arith.constant 1065353216 : i32
    %or3A_1415 = vector.broadcast %or3A_1414 : i32 to vector<56x222xi32>
    %or3A_1416 = arith.ori %shift_right_logical3A_1413, %or3A_1415 : vector<56x222xi32>
    %bitcast_convert_type3A_1417 = tpu.bitcast %or3A_1416 : vector<56x222xi32> -> vector<56x222xf32>
    %sub3A_1418 = arith.constant 1.000000e+00 : f32
    %sub3A_1419 = vector.broadcast %sub3A_1418 : f32 to vector<56x222xf32>
    %sub3A_1420 = arith.subf %bitcast_convert_type3A_1417, %sub3A_1419 : vector<56x222xf32>
    %max3A_1421 = arith.constant 1.17549435E-38 : f32
    %max3A_1422 = vector.broadcast %max3A_1421 : f32 to vector<56x222xf32>
    %max3A_1423 = arith.maximumf %sub3A_1420, %max3A_1422 : vector<56x222xf32>
    %max3A_1424 = arith.constant 0.000000e+00 : f32
    %max3A_1425 = vector.broadcast %max3A_1424 : f32 to vector<56x222xf32>
    %max3A_1426 = arith.maximumf %slice3A_1200, %max3A_1425 : vector<56x222xf32>
    %log3A_1427 = math.log %max3A_1423 : vector<56x222xf32>
    %neg3A_1428 = arith.constant 0.000000e+00 : f32
    %neg3A_1429 = vector.broadcast %neg3A_1428 : f32 to vector<56x222xf32>
    %neg3A_1430 = arith.subf %neg3A_1429, %log3A_1427 : vector<56x222xf32>
    %div3A_1431 = arith.divf %max3A_1426, %neg3A_1430 : vector<56x222xf32>
    %select_n3A_1432 = arith.select %le3A_24, %max3A_1423, %div3A_1431 : vector<56x222xi1>, vector<56x222xf32>
    %gt3A_1433 = arith.cmpf ogt, %select_n3A_1432, %select_n3A_1198 : vector<56x222xf32>
    %select_n3A_1434 = arith.select %gt3A_1433, %select_n3A_1432, %select_n3A_1198 : vector<56x222xi1>, vector<56x222xf32>
    %select_n3A_1435 = arith.select %gt3A_1433, %slice3A_1200, %select_n3A_1199 : vector<56x222xi1>, vector<56x222xf32>
    %slice3A_1436 = vector.extract_strided_slice %get3A_7 {offsets = [2, 0], sizes = [56, 222], strides = [1, 1]} : vector<64x224xf32> to vector<56x222xf32>
    %add3A_1437 = arith.constant 6 : i32
    %add3A_1438 = vector.broadcast %add3A_1437 : i32 to vector<56x222xi32>
    %add3A_1439 = arith.addi %add3A_27, %add3A_1438 : vector<56x222xi32>
    %shift_left3A_1440 = arith.constant 13 : i32
    %shift_left3A_1441 = vector.broadcast %shift_left3A_1440 : i32 to vector<56x222xi32>
    %shift_left3A_1442 = arith.shli %add3A_1439, %shift_left3A_1441 : vector<56x222xi32>
    %shift_right_logical3A_1443 = arith.constant 19 : i32
    %shift_right_logical3A_1444 = vector.broadcast %shift_right_logical3A_1443 : i32 to vector<56x222xi32>
    %shift_right_logical3A_1445 = arith.shrui %add3A_1439, %shift_right_logical3A_1444 : vector<56x222xi32>
    %or3A_1446 = arith.ori %shift_left3A_1442, %shift_right_logical3A_1445 : vector<56x222xi32>
    %xor3A_1447 = arith.xori %or3A_1446, %add3A_1439 : vector<56x222xi32>
    %add3A_1448 = arith.addi %add3A_1439, %xor3A_1447 : vector<56x222xi32>
    %shift_left3A_1449 = arith.constant 15 : i32
    %shift_left3A_1450 = vector.broadcast %shift_left3A_1449 : i32 to vector<56x222xi32>
    %shift_left3A_1451 = arith.shli %xor3A_1447, %shift_left3A_1450 : vector<56x222xi32>
    %shift_right_logical3A_1452 = arith.constant 17 : i32
    %shift_right_logical3A_1453 = vector.broadcast %shift_right_logical3A_1452 : i32 to vector<56x222xi32>
    %shift_right_logical3A_1454 = arith.shrui %xor3A_1447, %shift_right_logical3A_1453 : vector<56x222xi32>
    %or3A_1455 = arith.ori %shift_left3A_1451, %shift_right_logical3A_1454 : vector<56x222xi32>
    %xor3A_1456 = arith.xori %or3A_1455, %add3A_1448 : vector<56x222xi32>
    %add3A_1457 = arith.addi %add3A_1448, %xor3A_1456 : vector<56x222xi32>
    %shift_left3A_1458 = arith.constant 26 : i32
    %shift_left3A_1459 = vector.broadcast %shift_left3A_1458 : i32 to vector<56x222xi32>
    %shift_left3A_1460 = arith.shli %xor3A_1456, %shift_left3A_1459 : vector<56x222xi32>
    %shift_right_logical3A_1461 = arith.constant 6 : i32
    %shift_right_logical3A_1462 = vector.broadcast %shift_right_logical3A_1461 : i32 to vector<56x222xi32>
    %shift_right_logical3A_1463 = arith.shrui %xor3A_1456, %shift_right_logical3A_1462 : vector<56x222xi32>
    %or3A_1464 = arith.ori %shift_left3A_1460, %shift_right_logical3A_1463 : vector<56x222xi32>
    %xor3A_1465 = arith.xori %or3A_1464, %add3A_1457 : vector<56x222xi32>
    %add3A_1466 = arith.addi %add3A_1457, %xor3A_1465 : vector<56x222xi32>
    %shift_left3A_1467 = arith.constant 6 : i32
    %shift_left3A_1468 = vector.broadcast %shift_left3A_1467 : i32 to vector<56x222xi32>
    %shift_left3A_1469 = arith.shli %xor3A_1465, %shift_left3A_1468 : vector<56x222xi32>
    %shift_right_logical3A_1470 = arith.constant 26 : i32
    %shift_right_logical3A_1471 = vector.broadcast %shift_right_logical3A_1470 : i32 to vector<56x222xi32>
    %shift_right_logical3A_1472 = arith.shrui %xor3A_1465, %shift_right_logical3A_1471 : vector<56x222xi32>
    %or3A_1473 = arith.ori %shift_left3A_1469, %shift_right_logical3A_1472 : vector<56x222xi32>
    %xor3A_1474 = arith.xori %or3A_1473, %add3A_1466 : vector<56x222xi32>
    %add3A_1475 = arith.constant 42 : i32
    %add3A_1476 = vector.broadcast %add3A_1475 : i32 to vector<56x222xi32>
    %add3A_1477 = arith.addi %add3A_1466, %add3A_1476 : vector<56x222xi32>
    %add3A_1478 = arith.constant 466689009 : i32
    %add3A_1479 = vector.broadcast %add3A_1478 : i32 to vector<56x222xi32>
    %add3A_1480 = arith.addi %xor3A_1474, %add3A_1479 : vector<56x222xi32>
    %add3A_1481 = arith.addi %add3A_1477, %add3A_1480 : vector<56x222xi32>
    %shift_left3A_1482 = arith.constant 17 : i32
    %shift_left3A_1483 = vector.broadcast %shift_left3A_1482 : i32 to vector<56x222xi32>
    %shift_left3A_1484 = arith.shli %add3A_1480, %shift_left3A_1483 : vector<56x222xi32>
    %shift_right_logical3A_1485 = arith.constant 15 : i32
    %shift_right_logical3A_1486 = vector.broadcast %shift_right_logical3A_1485 : i32 to vector<56x222xi32>
    %shift_right_logical3A_1487 = arith.shrui %add3A_1480, %shift_right_logical3A_1486 : vector<56x222xi32>
    %or3A_1488 = arith.ori %shift_left3A_1484, %shift_right_logical3A_1487 : vector<56x222xi32>
    %xor3A_1489 = arith.xori %or3A_1488, %add3A_1481 : vector<56x222xi32>
    %add3A_1490 = arith.addi %add3A_1481, %xor3A_1489 : vector<56x222xi32>
    %shift_left3A_1491 = arith.constant 29 : i32
    %shift_left3A_1492 = vector.broadcast %shift_left3A_1491 : i32 to vector<56x222xi32>
    %shift_left3A_1493 = arith.shli %xor3A_1489, %shift_left3A_1492 : vector<56x222xi32>
    %shift_right_logical3A_1494 = arith.constant 3 : i32
    %shift_right_logical3A_1495 = vector.broadcast %shift_right_logical3A_1494 : i32 to vector<56x222xi32>
    %shift_right_logical3A_1496 = arith.shrui %xor3A_1489, %shift_right_logical3A_1495 : vector<56x222xi32>
    %or3A_1497 = arith.ori %shift_left3A_1493, %shift_right_logical3A_1496 : vector<56x222xi32>
    %xor3A_1498 = arith.xori %or3A_1497, %add3A_1490 : vector<56x222xi32>
    %add3A_1499 = arith.addi %add3A_1490, %xor3A_1498 : vector<56x222xi32>
    %shift_left3A_1500 = arith.constant 16 : i32
    %shift_left3A_1501 = vector.broadcast %shift_left3A_1500 : i32 to vector<56x222xi32>
    %shift_left3A_1502 = arith.shli %xor3A_1498, %shift_left3A_1501 : vector<56x222xi32>
    %shift_right_logical3A_1503 = arith.constant 16 : i32
    %shift_right_logical3A_1504 = vector.broadcast %shift_right_logical3A_1503 : i32 to vector<56x222xi32>
    %shift_right_logical3A_1505 = arith.shrui %xor3A_1498, %shift_right_logical3A_1504 : vector<56x222xi32>
    %or3A_1506 = arith.ori %shift_left3A_1502, %shift_right_logical3A_1505 : vector<56x222xi32>
    %xor3A_1507 = arith.xori %or3A_1506, %add3A_1499 : vector<56x222xi32>
    %add3A_1508 = arith.addi %add3A_1499, %xor3A_1507 : vector<56x222xi32>
    %shift_left3A_1509 = arith.constant 24 : i32
    %shift_left3A_1510 = vector.broadcast %shift_left3A_1509 : i32 to vector<56x222xi32>
    %shift_left3A_1511 = arith.shli %xor3A_1507, %shift_left3A_1510 : vector<56x222xi32>
    %shift_right_logical3A_1512 = arith.constant 8 : i32
    %shift_right_logical3A_1513 = vector.broadcast %shift_right_logical3A_1512 : i32 to vector<56x222xi32>
    %shift_right_logical3A_1514 = arith.shrui %xor3A_1507, %shift_right_logical3A_1513 : vector<56x222xi32>
    %or3A_1515 = arith.ori %shift_left3A_1511, %shift_right_logical3A_1514 : vector<56x222xi32>
    %xor3A_1516 = arith.xori %or3A_1515, %add3A_1508 : vector<56x222xi32>
    %add3A_1517 = arith.constant 466689008 : i32
    %add3A_1518 = vector.broadcast %add3A_1517 : i32 to vector<56x222xi32>
    %add3A_1519 = arith.addi %add3A_1508, %add3A_1518 : vector<56x222xi32>
    %add3A_1520 = arith.constant 2 : i32
    %add3A_1521 = vector.broadcast %add3A_1520 : i32 to vector<56x222xi32>
    %add3A_1522 = arith.addi %xor3A_1516, %add3A_1521 : vector<56x222xi32>
    %add3A_1523 = arith.addi %add3A_1519, %add3A_1522 : vector<56x222xi32>
    %shift_left3A_1524 = arith.constant 13 : i32
    %shift_left3A_1525 = vector.broadcast %shift_left3A_1524 : i32 to vector<56x222xi32>
    %shift_left3A_1526 = arith.shli %add3A_1522, %shift_left3A_1525 : vector<56x222xi32>
    %shift_right_logical3A_1527 = arith.constant 19 : i32
    %shift_right_logical3A_1528 = vector.broadcast %shift_right_logical3A_1527 : i32 to vector<56x222xi32>
    %shift_right_logical3A_1529 = arith.shrui %add3A_1522, %shift_right_logical3A_1528 : vector<56x222xi32>
    %or3A_1530 = arith.ori %shift_left3A_1526, %shift_right_logical3A_1529 : vector<56x222xi32>
    %xor3A_1531 = arith.xori %or3A_1530, %add3A_1523 : vector<56x222xi32>
    %add3A_1532 = arith.addi %add3A_1523, %xor3A_1531 : vector<56x222xi32>
    %shift_left3A_1533 = arith.constant 15 : i32
    %shift_left3A_1534 = vector.broadcast %shift_left3A_1533 : i32 to vector<56x222xi32>
    %shift_left3A_1535 = arith.shli %xor3A_1531, %shift_left3A_1534 : vector<56x222xi32>
    %shift_right_logical3A_1536 = arith.constant 17 : i32
    %shift_right_logical3A_1537 = vector.broadcast %shift_right_logical3A_1536 : i32 to vector<56x222xi32>
    %shift_right_logical3A_1538 = arith.shrui %xor3A_1531, %shift_right_logical3A_1537 : vector<56x222xi32>
    %or3A_1539 = arith.ori %shift_left3A_1535, %shift_right_logical3A_1538 : vector<56x222xi32>
    %xor3A_1540 = arith.xori %or3A_1539, %add3A_1532 : vector<56x222xi32>
    %add3A_1541 = arith.addi %add3A_1532, %xor3A_1540 : vector<56x222xi32>
    %shift_left3A_1542 = arith.constant 26 : i32
    %shift_left3A_1543 = vector.broadcast %shift_left3A_1542 : i32 to vector<56x222xi32>
    %shift_left3A_1544 = arith.shli %xor3A_1540, %shift_left3A_1543 : vector<56x222xi32>
    %shift_right_logical3A_1545 = arith.constant 6 : i32
    %shift_right_logical3A_1546 = vector.broadcast %shift_right_logical3A_1545 : i32 to vector<56x222xi32>
    %shift_right_logical3A_1547 = arith.shrui %xor3A_1540, %shift_right_logical3A_1546 : vector<56x222xi32>
    %or3A_1548 = arith.ori %shift_left3A_1544, %shift_right_logical3A_1547 : vector<56x222xi32>
    %xor3A_1549 = arith.xori %or3A_1548, %add3A_1541 : vector<56x222xi32>
    %add3A_1550 = arith.addi %add3A_1541, %xor3A_1549 : vector<56x222xi32>
    %shift_left3A_1551 = arith.constant 6 : i32
    %shift_left3A_1552 = vector.broadcast %shift_left3A_1551 : i32 to vector<56x222xi32>
    %shift_left3A_1553 = arith.shli %xor3A_1549, %shift_left3A_1552 : vector<56x222xi32>
    %shift_right_logical3A_1554 = arith.constant 26 : i32
    %shift_right_logical3A_1555 = vector.broadcast %shift_right_logical3A_1554 : i32 to vector<56x222xi32>
    %shift_right_logical3A_1556 = arith.shrui %xor3A_1549, %shift_right_logical3A_1555 : vector<56x222xi32>
    %or3A_1557 = arith.ori %shift_left3A_1553, %shift_right_logical3A_1556 : vector<56x222xi32>
    %xor3A_1558 = arith.xori %or3A_1557, %add3A_1550 : vector<56x222xi32>
    %add3A_1559 = arith.constant 45 : i32
    %add3A_1560 = vector.broadcast %add3A_1559 : i32 to vector<56x222xi32>
    %add3A_1561 = arith.addi %xor3A_1558, %add3A_1560 : vector<56x222xi32>
    %add3A_1562 = arith.addi %add3A_1550, %add3A_1561 : vector<56x222xi32>
    %shift_left3A_1563 = arith.constant 17 : i32
    %shift_left3A_1564 = vector.broadcast %shift_left3A_1563 : i32 to vector<56x222xi32>
    %shift_left3A_1565 = arith.shli %add3A_1561, %shift_left3A_1564 : vector<56x222xi32>
    %shift_right_logical3A_1566 = arith.constant 15 : i32
    %shift_right_logical3A_1567 = vector.broadcast %shift_right_logical3A_1566 : i32 to vector<56x222xi32>
    %shift_right_logical3A_1568 = arith.shrui %add3A_1561, %shift_right_logical3A_1567 : vector<56x222xi32>
    %or3A_1569 = arith.ori %shift_left3A_1565, %shift_right_logical3A_1568 : vector<56x222xi32>
    %xor3A_1570 = arith.xori %or3A_1569, %add3A_1562 : vector<56x222xi32>
    %add3A_1571 = arith.addi %add3A_1562, %xor3A_1570 : vector<56x222xi32>
    %shift_left3A_1572 = arith.constant 29 : i32
    %shift_left3A_1573 = vector.broadcast %shift_left3A_1572 : i32 to vector<56x222xi32>
    %shift_left3A_1574 = arith.shli %xor3A_1570, %shift_left3A_1573 : vector<56x222xi32>
    %shift_right_logical3A_1575 = arith.constant 3 : i32
    %shift_right_logical3A_1576 = vector.broadcast %shift_right_logical3A_1575 : i32 to vector<56x222xi32>
    %shift_right_logical3A_1577 = arith.shrui %xor3A_1570, %shift_right_logical3A_1576 : vector<56x222xi32>
    %or3A_1578 = arith.ori %shift_left3A_1574, %shift_right_logical3A_1577 : vector<56x222xi32>
    %xor3A_1579 = arith.xori %or3A_1578, %add3A_1571 : vector<56x222xi32>
    %add3A_1580 = arith.addi %add3A_1571, %xor3A_1579 : vector<56x222xi32>
    %shift_left3A_1581 = arith.constant 16 : i32
    %shift_left3A_1582 = vector.broadcast %shift_left3A_1581 : i32 to vector<56x222xi32>
    %shift_left3A_1583 = arith.shli %xor3A_1579, %shift_left3A_1582 : vector<56x222xi32>
    %shift_right_logical3A_1584 = arith.constant 16 : i32
    %shift_right_logical3A_1585 = vector.broadcast %shift_right_logical3A_1584 : i32 to vector<56x222xi32>
    %shift_right_logical3A_1586 = arith.shrui %xor3A_1579, %shift_right_logical3A_1585 : vector<56x222xi32>
    %or3A_1587 = arith.ori %shift_left3A_1583, %shift_right_logical3A_1586 : vector<56x222xi32>
    %xor3A_1588 = arith.xori %or3A_1587, %add3A_1580 : vector<56x222xi32>
    %add3A_1589 = arith.addi %add3A_1580, %xor3A_1588 : vector<56x222xi32>
    %shift_left3A_1590 = arith.constant 24 : i32
    %shift_left3A_1591 = vector.broadcast %shift_left3A_1590 : i32 to vector<56x222xi32>
    %shift_left3A_1592 = arith.shli %xor3A_1588, %shift_left3A_1591 : vector<56x222xi32>
    %shift_right_logical3A_1593 = arith.constant 8 : i32
    %shift_right_logical3A_1594 = vector.broadcast %shift_right_logical3A_1593 : i32 to vector<56x222xi32>
    %shift_right_logical3A_1595 = arith.shrui %xor3A_1588, %shift_right_logical3A_1594 : vector<56x222xi32>
    %or3A_1596 = arith.ori %shift_left3A_1592, %shift_right_logical3A_1595 : vector<56x222xi32>
    %xor3A_1597 = arith.xori %or3A_1596, %add3A_1589 : vector<56x222xi32>
    %add3A_1598 = arith.constant 42 : i32
    %add3A_1599 = vector.broadcast %add3A_1598 : i32 to vector<56x222xi32>
    %add3A_1600 = arith.addi %add3A_1589, %add3A_1599 : vector<56x222xi32>
    %add3A_1601 = arith.constant 466689012 : i32
    %add3A_1602 = vector.broadcast %add3A_1601 : i32 to vector<56x222xi32>
    %add3A_1603 = arith.addi %xor3A_1597, %add3A_1602 : vector<56x222xi32>
    %add3A_1604 = arith.addi %add3A_1600, %add3A_1603 : vector<56x222xi32>
    %shift_left3A_1605 = arith.constant 13 : i32
    %shift_left3A_1606 = vector.broadcast %shift_left3A_1605 : i32 to vector<56x222xi32>
    %shift_left3A_1607 = arith.shli %add3A_1603, %shift_left3A_1606 : vector<56x222xi32>
    %shift_right_logical3A_1608 = arith.constant 19 : i32
    %shift_right_logical3A_1609 = vector.broadcast %shift_right_logical3A_1608 : i32 to vector<56x222xi32>
    %shift_right_logical3A_1610 = arith.shrui %add3A_1603, %shift_right_logical3A_1609 : vector<56x222xi32>
    %or3A_1611 = arith.ori %shift_left3A_1607, %shift_right_logical3A_1610 : vector<56x222xi32>
    %xor3A_1612 = arith.xori %or3A_1611, %add3A_1604 : vector<56x222xi32>
    %add3A_1613 = arith.addi %add3A_1604, %xor3A_1612 : vector<56x222xi32>
    %shift_left3A_1614 = arith.constant 15 : i32
    %shift_left3A_1615 = vector.broadcast %shift_left3A_1614 : i32 to vector<56x222xi32>
    %shift_left3A_1616 = arith.shli %xor3A_1612, %shift_left3A_1615 : vector<56x222xi32>
    %shift_right_logical3A_1617 = arith.constant 17 : i32
    %shift_right_logical3A_1618 = vector.broadcast %shift_right_logical3A_1617 : i32 to vector<56x222xi32>
    %shift_right_logical3A_1619 = arith.shrui %xor3A_1612, %shift_right_logical3A_1618 : vector<56x222xi32>
    %or3A_1620 = arith.ori %shift_left3A_1616, %shift_right_logical3A_1619 : vector<56x222xi32>
    %xor3A_1621 = arith.xori %or3A_1620, %add3A_1613 : vector<56x222xi32>
    %add3A_1622 = arith.addi %add3A_1613, %xor3A_1621 : vector<56x222xi32>
    %shift_left3A_1623 = arith.constant 26 : i32
    %shift_left3A_1624 = vector.broadcast %shift_left3A_1623 : i32 to vector<56x222xi32>
    %shift_left3A_1625 = arith.shli %xor3A_1621, %shift_left3A_1624 : vector<56x222xi32>
    %shift_right_logical3A_1626 = arith.constant 6 : i32
    %shift_right_logical3A_1627 = vector.broadcast %shift_right_logical3A_1626 : i32 to vector<56x222xi32>
    %shift_right_logical3A_1628 = arith.shrui %xor3A_1621, %shift_right_logical3A_1627 : vector<56x222xi32>
    %or3A_1629 = arith.ori %shift_left3A_1625, %shift_right_logical3A_1628 : vector<56x222xi32>
    %xor3A_1630 = arith.xori %or3A_1629, %add3A_1622 : vector<56x222xi32>
    %add3A_1631 = arith.addi %add3A_1622, %xor3A_1630 : vector<56x222xi32>
    %shift_left3A_1632 = arith.constant 6 : i32
    %shift_left3A_1633 = vector.broadcast %shift_left3A_1632 : i32 to vector<56x222xi32>
    %shift_left3A_1634 = arith.shli %xor3A_1630, %shift_left3A_1633 : vector<56x222xi32>
    %shift_right_logical3A_1635 = arith.constant 26 : i32
    %shift_right_logical3A_1636 = vector.broadcast %shift_right_logical3A_1635 : i32 to vector<56x222xi32>
    %shift_right_logical3A_1637 = arith.shrui %xor3A_1630, %shift_right_logical3A_1636 : vector<56x222xi32>
    %or3A_1638 = arith.ori %shift_left3A_1634, %shift_right_logical3A_1637 : vector<56x222xi32>
    %xor3A_1639 = arith.xori %or3A_1638, %add3A_1631 : vector<56x222xi32>
    %add3A_1640 = arith.constant 466689008 : i32
    %add3A_1641 = vector.broadcast %add3A_1640 : i32 to vector<56x222xi32>
    %add3A_1642 = arith.addi %add3A_1631, %add3A_1641 : vector<56x222xi32>
    %add3A_1643 = arith.constant 5 : i32
    %add3A_1644 = vector.broadcast %add3A_1643 : i32 to vector<56x222xi32>
    %add3A_1645 = arith.addi %xor3A_1639, %add3A_1644 : vector<56x222xi32>
    %xor3A_1646 = arith.xori %add3A_1642, %add3A_1645 : vector<56x222xi32>
    %shift_right_logical3A_1647 = arith.constant 9 : i32
    %shift_right_logical3A_1648 = vector.broadcast %shift_right_logical3A_1647 : i32 to vector<56x222xi32>
    %shift_right_logical3A_1649 = arith.shrui %xor3A_1646, %shift_right_logical3A_1648 : vector<56x222xi32>
    %or3A_1650 = arith.constant 1065353216 : i32
    %or3A_1651 = vector.broadcast %or3A_1650 : i32 to vector<56x222xi32>
    %or3A_1652 = arith.ori %shift_right_logical3A_1649, %or3A_1651 : vector<56x222xi32>
    %bitcast_convert_type3A_1653 = tpu.bitcast %or3A_1652 : vector<56x222xi32> -> vector<56x222xf32>
    %sub3A_1654 = arith.constant 1.000000e+00 : f32
    %sub3A_1655 = vector.broadcast %sub3A_1654 : f32 to vector<56x222xf32>
    %sub3A_1656 = arith.subf %bitcast_convert_type3A_1653, %sub3A_1655 : vector<56x222xf32>
    %max3A_1657 = arith.constant 1.17549435E-38 : f32
    %max3A_1658 = vector.broadcast %max3A_1657 : f32 to vector<56x222xf32>
    %max3A_1659 = arith.maximumf %sub3A_1656, %max3A_1658 : vector<56x222xf32>
    %max3A_1660 = arith.constant 0.000000e+00 : f32
    %max3A_1661 = vector.broadcast %max3A_1660 : f32 to vector<56x222xf32>
    %max3A_1662 = arith.maximumf %slice3A_1436, %max3A_1661 : vector<56x222xf32>
    %log3A_1663 = math.log %max3A_1659 : vector<56x222xf32>
    %neg3A_1664 = arith.constant 0.000000e+00 : f32
    %neg3A_1665 = vector.broadcast %neg3A_1664 : f32 to vector<56x222xf32>
    %neg3A_1666 = arith.subf %neg3A_1665, %log3A_1663 : vector<56x222xf32>
    %div3A_1667 = arith.divf %max3A_1662, %neg3A_1666 : vector<56x222xf32>
    %select_n3A_1668 = arith.select %le3A_24, %max3A_1659, %div3A_1667 : vector<56x222xi1>, vector<56x222xf32>
    %gt3A_1669 = arith.cmpf ogt, %select_n3A_1668, %select_n3A_1434 : vector<56x222xf32>
    %select_n3A_1670 = arith.select %gt3A_1669, %select_n3A_1668, %select_n3A_1434 : vector<56x222xi1>, vector<56x222xf32>
    %select_n3A_1671 = arith.select %gt3A_1669, %slice3A_1436, %select_n3A_1435 : vector<56x222xi1>, vector<56x222xf32>
    %slice3A_1672 = vector.extract_strided_slice %get3A_7 {offsets = [2, 1], sizes = [56, 222], strides = [1, 1]} : vector<64x224xf32> to vector<56x222xf32>
    %add3A_1673 = arith.constant 7 : i32
    %add3A_1674 = vector.broadcast %add3A_1673 : i32 to vector<56x222xi32>
    %add3A_1675 = arith.addi %add3A_27, %add3A_1674 : vector<56x222xi32>
    %shift_left3A_1676 = arith.constant 13 : i32
    %shift_left3A_1677 = vector.broadcast %shift_left3A_1676 : i32 to vector<56x222xi32>
    %shift_left3A_1678 = arith.shli %add3A_1675, %shift_left3A_1677 : vector<56x222xi32>
    %shift_right_logical3A_1679 = arith.constant 19 : i32
    %shift_right_logical3A_1680 = vector.broadcast %shift_right_logical3A_1679 : i32 to vector<56x222xi32>
    %shift_right_logical3A_1681 = arith.shrui %add3A_1675, %shift_right_logical3A_1680 : vector<56x222xi32>
    %or3A_1682 = arith.ori %shift_left3A_1678, %shift_right_logical3A_1681 : vector<56x222xi32>
    %xor3A_1683 = arith.xori %or3A_1682, %add3A_1675 : vector<56x222xi32>
    %add3A_1684 = arith.addi %add3A_1675, %xor3A_1683 : vector<56x222xi32>
    %shift_left3A_1685 = arith.constant 15 : i32
    %shift_left3A_1686 = vector.broadcast %shift_left3A_1685 : i32 to vector<56x222xi32>
    %shift_left3A_1687 = arith.shli %xor3A_1683, %shift_left3A_1686 : vector<56x222xi32>
    %shift_right_logical3A_1688 = arith.constant 17 : i32
    %shift_right_logical3A_1689 = vector.broadcast %shift_right_logical3A_1688 : i32 to vector<56x222xi32>
    %shift_right_logical3A_1690 = arith.shrui %xor3A_1683, %shift_right_logical3A_1689 : vector<56x222xi32>
    %or3A_1691 = arith.ori %shift_left3A_1687, %shift_right_logical3A_1690 : vector<56x222xi32>
    %xor3A_1692 = arith.xori %or3A_1691, %add3A_1684 : vector<56x222xi32>
    %add3A_1693 = arith.addi %add3A_1684, %xor3A_1692 : vector<56x222xi32>
    %shift_left3A_1694 = arith.constant 26 : i32
    %shift_left3A_1695 = vector.broadcast %shift_left3A_1694 : i32 to vector<56x222xi32>
    %shift_left3A_1696 = arith.shli %xor3A_1692, %shift_left3A_1695 : vector<56x222xi32>
    %shift_right_logical3A_1697 = arith.constant 6 : i32
    %shift_right_logical3A_1698 = vector.broadcast %shift_right_logical3A_1697 : i32 to vector<56x222xi32>
    %shift_right_logical3A_1699 = arith.shrui %xor3A_1692, %shift_right_logical3A_1698 : vector<56x222xi32>
    %or3A_1700 = arith.ori %shift_left3A_1696, %shift_right_logical3A_1699 : vector<56x222xi32>
    %xor3A_1701 = arith.xori %or3A_1700, %add3A_1693 : vector<56x222xi32>
    %add3A_1702 = arith.addi %add3A_1693, %xor3A_1701 : vector<56x222xi32>
    %shift_left3A_1703 = arith.constant 6 : i32
    %shift_left3A_1704 = vector.broadcast %shift_left3A_1703 : i32 to vector<56x222xi32>
    %shift_left3A_1705 = arith.shli %xor3A_1701, %shift_left3A_1704 : vector<56x222xi32>
    %shift_right_logical3A_1706 = arith.constant 26 : i32
    %shift_right_logical3A_1707 = vector.broadcast %shift_right_logical3A_1706 : i32 to vector<56x222xi32>
    %shift_right_logical3A_1708 = arith.shrui %xor3A_1701, %shift_right_logical3A_1707 : vector<56x222xi32>
    %or3A_1709 = arith.ori %shift_left3A_1705, %shift_right_logical3A_1708 : vector<56x222xi32>
    %xor3A_1710 = arith.xori %or3A_1709, %add3A_1702 : vector<56x222xi32>
    %add3A_1711 = arith.constant 42 : i32
    %add3A_1712 = vector.broadcast %add3A_1711 : i32 to vector<56x222xi32>
    %add3A_1713 = arith.addi %add3A_1702, %add3A_1712 : vector<56x222xi32>
    %add3A_1714 = arith.constant 466689009 : i32
    %add3A_1715 = vector.broadcast %add3A_1714 : i32 to vector<56x222xi32>
    %add3A_1716 = arith.addi %xor3A_1710, %add3A_1715 : vector<56x222xi32>
    %add3A_1717 = arith.addi %add3A_1713, %add3A_1716 : vector<56x222xi32>
    %shift_left3A_1718 = arith.constant 17 : i32
    %shift_left3A_1719 = vector.broadcast %shift_left3A_1718 : i32 to vector<56x222xi32>
    %shift_left3A_1720 = arith.shli %add3A_1716, %shift_left3A_1719 : vector<56x222xi32>
    %shift_right_logical3A_1721 = arith.constant 15 : i32
    %shift_right_logical3A_1722 = vector.broadcast %shift_right_logical3A_1721 : i32 to vector<56x222xi32>
    %shift_right_logical3A_1723 = arith.shrui %add3A_1716, %shift_right_logical3A_1722 : vector<56x222xi32>
    %or3A_1724 = arith.ori %shift_left3A_1720, %shift_right_logical3A_1723 : vector<56x222xi32>
    %xor3A_1725 = arith.xori %or3A_1724, %add3A_1717 : vector<56x222xi32>
    %add3A_1726 = arith.addi %add3A_1717, %xor3A_1725 : vector<56x222xi32>
    %shift_left3A_1727 = arith.constant 29 : i32
    %shift_left3A_1728 = vector.broadcast %shift_left3A_1727 : i32 to vector<56x222xi32>
    %shift_left3A_1729 = arith.shli %xor3A_1725, %shift_left3A_1728 : vector<56x222xi32>
    %shift_right_logical3A_1730 = arith.constant 3 : i32
    %shift_right_logical3A_1731 = vector.broadcast %shift_right_logical3A_1730 : i32 to vector<56x222xi32>
    %shift_right_logical3A_1732 = arith.shrui %xor3A_1725, %shift_right_logical3A_1731 : vector<56x222xi32>
    %or3A_1733 = arith.ori %shift_left3A_1729, %shift_right_logical3A_1732 : vector<56x222xi32>
    %xor3A_1734 = arith.xori %or3A_1733, %add3A_1726 : vector<56x222xi32>
    %add3A_1735 = arith.addi %add3A_1726, %xor3A_1734 : vector<56x222xi32>
    %shift_left3A_1736 = arith.constant 16 : i32
    %shift_left3A_1737 = vector.broadcast %shift_left3A_1736 : i32 to vector<56x222xi32>
    %shift_left3A_1738 = arith.shli %xor3A_1734, %shift_left3A_1737 : vector<56x222xi32>
    %shift_right_logical3A_1739 = arith.constant 16 : i32
    %shift_right_logical3A_1740 = vector.broadcast %shift_right_logical3A_1739 : i32 to vector<56x222xi32>
    %shift_right_logical3A_1741 = arith.shrui %xor3A_1734, %shift_right_logical3A_1740 : vector<56x222xi32>
    %or3A_1742 = arith.ori %shift_left3A_1738, %shift_right_logical3A_1741 : vector<56x222xi32>
    %xor3A_1743 = arith.xori %or3A_1742, %add3A_1735 : vector<56x222xi32>
    %add3A_1744 = arith.addi %add3A_1735, %xor3A_1743 : vector<56x222xi32>
    %shift_left3A_1745 = arith.constant 24 : i32
    %shift_left3A_1746 = vector.broadcast %shift_left3A_1745 : i32 to vector<56x222xi32>
    %shift_left3A_1747 = arith.shli %xor3A_1743, %shift_left3A_1746 : vector<56x222xi32>
    %shift_right_logical3A_1748 = arith.constant 8 : i32
    %shift_right_logical3A_1749 = vector.broadcast %shift_right_logical3A_1748 : i32 to vector<56x222xi32>
    %shift_right_logical3A_1750 = arith.shrui %xor3A_1743, %shift_right_logical3A_1749 : vector<56x222xi32>
    %or3A_1751 = arith.ori %shift_left3A_1747, %shift_right_logical3A_1750 : vector<56x222xi32>
    %xor3A_1752 = arith.xori %or3A_1751, %add3A_1744 : vector<56x222xi32>
    %add3A_1753 = arith.constant 466689008 : i32
    %add3A_1754 = vector.broadcast %add3A_1753 : i32 to vector<56x222xi32>
    %add3A_1755 = arith.addi %add3A_1744, %add3A_1754 : vector<56x222xi32>
    %add3A_1756 = arith.constant 2 : i32
    %add3A_1757 = vector.broadcast %add3A_1756 : i32 to vector<56x222xi32>
    %add3A_1758 = arith.addi %xor3A_1752, %add3A_1757 : vector<56x222xi32>
    %add3A_1759 = arith.addi %add3A_1755, %add3A_1758 : vector<56x222xi32>
    %shift_left3A_1760 = arith.constant 13 : i32
    %shift_left3A_1761 = vector.broadcast %shift_left3A_1760 : i32 to vector<56x222xi32>
    %shift_left3A_1762 = arith.shli %add3A_1758, %shift_left3A_1761 : vector<56x222xi32>
    %shift_right_logical3A_1763 = arith.constant 19 : i32
    %shift_right_logical3A_1764 = vector.broadcast %shift_right_logical3A_1763 : i32 to vector<56x222xi32>
    %shift_right_logical3A_1765 = arith.shrui %add3A_1758, %shift_right_logical3A_1764 : vector<56x222xi32>
    %or3A_1766 = arith.ori %shift_left3A_1762, %shift_right_logical3A_1765 : vector<56x222xi32>
    %xor3A_1767 = arith.xori %or3A_1766, %add3A_1759 : vector<56x222xi32>
    %add3A_1768 = arith.addi %add3A_1759, %xor3A_1767 : vector<56x222xi32>
    %shift_left3A_1769 = arith.constant 15 : i32
    %shift_left3A_1770 = vector.broadcast %shift_left3A_1769 : i32 to vector<56x222xi32>
    %shift_left3A_1771 = arith.shli %xor3A_1767, %shift_left3A_1770 : vector<56x222xi32>
    %shift_right_logical3A_1772 = arith.constant 17 : i32
    %shift_right_logical3A_1773 = vector.broadcast %shift_right_logical3A_1772 : i32 to vector<56x222xi32>
    %shift_right_logical3A_1774 = arith.shrui %xor3A_1767, %shift_right_logical3A_1773 : vector<56x222xi32>
    %or3A_1775 = arith.ori %shift_left3A_1771, %shift_right_logical3A_1774 : vector<56x222xi32>
    %xor3A_1776 = arith.xori %or3A_1775, %add3A_1768 : vector<56x222xi32>
    %add3A_1777 = arith.addi %add3A_1768, %xor3A_1776 : vector<56x222xi32>
    %shift_left3A_1778 = arith.constant 26 : i32
    %shift_left3A_1779 = vector.broadcast %shift_left3A_1778 : i32 to vector<56x222xi32>
    %shift_left3A_1780 = arith.shli %xor3A_1776, %shift_left3A_1779 : vector<56x222xi32>
    %shift_right_logical3A_1781 = arith.constant 6 : i32
    %shift_right_logical3A_1782 = vector.broadcast %shift_right_logical3A_1781 : i32 to vector<56x222xi32>
    %shift_right_logical3A_1783 = arith.shrui %xor3A_1776, %shift_right_logical3A_1782 : vector<56x222xi32>
    %or3A_1784 = arith.ori %shift_left3A_1780, %shift_right_logical3A_1783 : vector<56x222xi32>
    %xor3A_1785 = arith.xori %or3A_1784, %add3A_1777 : vector<56x222xi32>
    %add3A_1786 = arith.addi %add3A_1777, %xor3A_1785 : vector<56x222xi32>
    %shift_left3A_1787 = arith.constant 6 : i32
    %shift_left3A_1788 = vector.broadcast %shift_left3A_1787 : i32 to vector<56x222xi32>
    %shift_left3A_1789 = arith.shli %xor3A_1785, %shift_left3A_1788 : vector<56x222xi32>
    %shift_right_logical3A_1790 = arith.constant 26 : i32
    %shift_right_logical3A_1791 = vector.broadcast %shift_right_logical3A_1790 : i32 to vector<56x222xi32>
    %shift_right_logical3A_1792 = arith.shrui %xor3A_1785, %shift_right_logical3A_1791 : vector<56x222xi32>
    %or3A_1793 = arith.ori %shift_left3A_1789, %shift_right_logical3A_1792 : vector<56x222xi32>
    %xor3A_1794 = arith.xori %or3A_1793, %add3A_1786 : vector<56x222xi32>
    %add3A_1795 = arith.constant 45 : i32
    %add3A_1796 = vector.broadcast %add3A_1795 : i32 to vector<56x222xi32>
    %add3A_1797 = arith.addi %xor3A_1794, %add3A_1796 : vector<56x222xi32>
    %add3A_1798 = arith.addi %add3A_1786, %add3A_1797 : vector<56x222xi32>
    %shift_left3A_1799 = arith.constant 17 : i32
    %shift_left3A_1800 = vector.broadcast %shift_left3A_1799 : i32 to vector<56x222xi32>
    %shift_left3A_1801 = arith.shli %add3A_1797, %shift_left3A_1800 : vector<56x222xi32>
    %shift_right_logical3A_1802 = arith.constant 15 : i32
    %shift_right_logical3A_1803 = vector.broadcast %shift_right_logical3A_1802 : i32 to vector<56x222xi32>
    %shift_right_logical3A_1804 = arith.shrui %add3A_1797, %shift_right_logical3A_1803 : vector<56x222xi32>
    %or3A_1805 = arith.ori %shift_left3A_1801, %shift_right_logical3A_1804 : vector<56x222xi32>
    %xor3A_1806 = arith.xori %or3A_1805, %add3A_1798 : vector<56x222xi32>
    %add3A_1807 = arith.addi %add3A_1798, %xor3A_1806 : vector<56x222xi32>
    %shift_left3A_1808 = arith.constant 29 : i32
    %shift_left3A_1809 = vector.broadcast %shift_left3A_1808 : i32 to vector<56x222xi32>
    %shift_left3A_1810 = arith.shli %xor3A_1806, %shift_left3A_1809 : vector<56x222xi32>
    %shift_right_logical3A_1811 = arith.constant 3 : i32
    %shift_right_logical3A_1812 = vector.broadcast %shift_right_logical3A_1811 : i32 to vector<56x222xi32>
    %shift_right_logical3A_1813 = arith.shrui %xor3A_1806, %shift_right_logical3A_1812 : vector<56x222xi32>
    %or3A_1814 = arith.ori %shift_left3A_1810, %shift_right_logical3A_1813 : vector<56x222xi32>
    %xor3A_1815 = arith.xori %or3A_1814, %add3A_1807 : vector<56x222xi32>
    %add3A_1816 = arith.addi %add3A_1807, %xor3A_1815 : vector<56x222xi32>
    %shift_left3A_1817 = arith.constant 16 : i32
    %shift_left3A_1818 = vector.broadcast %shift_left3A_1817 : i32 to vector<56x222xi32>
    %shift_left3A_1819 = arith.shli %xor3A_1815, %shift_left3A_1818 : vector<56x222xi32>
    %shift_right_logical3A_1820 = arith.constant 16 : i32
    %shift_right_logical3A_1821 = vector.broadcast %shift_right_logical3A_1820 : i32 to vector<56x222xi32>
    %shift_right_logical3A_1822 = arith.shrui %xor3A_1815, %shift_right_logical3A_1821 : vector<56x222xi32>
    %or3A_1823 = arith.ori %shift_left3A_1819, %shift_right_logical3A_1822 : vector<56x222xi32>
    %xor3A_1824 = arith.xori %or3A_1823, %add3A_1816 : vector<56x222xi32>
    %add3A_1825 = arith.addi %add3A_1816, %xor3A_1824 : vector<56x222xi32>
    %shift_left3A_1826 = arith.constant 24 : i32
    %shift_left3A_1827 = vector.broadcast %shift_left3A_1826 : i32 to vector<56x222xi32>
    %shift_left3A_1828 = arith.shli %xor3A_1824, %shift_left3A_1827 : vector<56x222xi32>
    %shift_right_logical3A_1829 = arith.constant 8 : i32
    %shift_right_logical3A_1830 = vector.broadcast %shift_right_logical3A_1829 : i32 to vector<56x222xi32>
    %shift_right_logical3A_1831 = arith.shrui %xor3A_1824, %shift_right_logical3A_1830 : vector<56x222xi32>
    %or3A_1832 = arith.ori %shift_left3A_1828, %shift_right_logical3A_1831 : vector<56x222xi32>
    %xor3A_1833 = arith.xori %or3A_1832, %add3A_1825 : vector<56x222xi32>
    %add3A_1834 = arith.constant 42 : i32
    %add3A_1835 = vector.broadcast %add3A_1834 : i32 to vector<56x222xi32>
    %add3A_1836 = arith.addi %add3A_1825, %add3A_1835 : vector<56x222xi32>
    %add3A_1837 = arith.constant 466689012 : i32
    %add3A_1838 = vector.broadcast %add3A_1837 : i32 to vector<56x222xi32>
    %add3A_1839 = arith.addi %xor3A_1833, %add3A_1838 : vector<56x222xi32>
    %add3A_1840 = arith.addi %add3A_1836, %add3A_1839 : vector<56x222xi32>
    %shift_left3A_1841 = arith.constant 13 : i32
    %shift_left3A_1842 = vector.broadcast %shift_left3A_1841 : i32 to vector<56x222xi32>
    %shift_left3A_1843 = arith.shli %add3A_1839, %shift_left3A_1842 : vector<56x222xi32>
    %shift_right_logical3A_1844 = arith.constant 19 : i32
    %shift_right_logical3A_1845 = vector.broadcast %shift_right_logical3A_1844 : i32 to vector<56x222xi32>
    %shift_right_logical3A_1846 = arith.shrui %add3A_1839, %shift_right_logical3A_1845 : vector<56x222xi32>
    %or3A_1847 = arith.ori %shift_left3A_1843, %shift_right_logical3A_1846 : vector<56x222xi32>
    %xor3A_1848 = arith.xori %or3A_1847, %add3A_1840 : vector<56x222xi32>
    %add3A_1849 = arith.addi %add3A_1840, %xor3A_1848 : vector<56x222xi32>
    %shift_left3A_1850 = arith.constant 15 : i32
    %shift_left3A_1851 = vector.broadcast %shift_left3A_1850 : i32 to vector<56x222xi32>
    %shift_left3A_1852 = arith.shli %xor3A_1848, %shift_left3A_1851 : vector<56x222xi32>
    %shift_right_logical3A_1853 = arith.constant 17 : i32
    %shift_right_logical3A_1854 = vector.broadcast %shift_right_logical3A_1853 : i32 to vector<56x222xi32>
    %shift_right_logical3A_1855 = arith.shrui %xor3A_1848, %shift_right_logical3A_1854 : vector<56x222xi32>
    %or3A_1856 = arith.ori %shift_left3A_1852, %shift_right_logical3A_1855 : vector<56x222xi32>
    %xor3A_1857 = arith.xori %or3A_1856, %add3A_1849 : vector<56x222xi32>
    %add3A_1858 = arith.addi %add3A_1849, %xor3A_1857 : vector<56x222xi32>
    %shift_left3A_1859 = arith.constant 26 : i32
    %shift_left3A_1860 = vector.broadcast %shift_left3A_1859 : i32 to vector<56x222xi32>
    %shift_left3A_1861 = arith.shli %xor3A_1857, %shift_left3A_1860 : vector<56x222xi32>
    %shift_right_logical3A_1862 = arith.constant 6 : i32
    %shift_right_logical3A_1863 = vector.broadcast %shift_right_logical3A_1862 : i32 to vector<56x222xi32>
    %shift_right_logical3A_1864 = arith.shrui %xor3A_1857, %shift_right_logical3A_1863 : vector<56x222xi32>
    %or3A_1865 = arith.ori %shift_left3A_1861, %shift_right_logical3A_1864 : vector<56x222xi32>
    %xor3A_1866 = arith.xori %or3A_1865, %add3A_1858 : vector<56x222xi32>
    %add3A_1867 = arith.addi %add3A_1858, %xor3A_1866 : vector<56x222xi32>
    %shift_left3A_1868 = arith.constant 6 : i32
    %shift_left3A_1869 = vector.broadcast %shift_left3A_1868 : i32 to vector<56x222xi32>
    %shift_left3A_1870 = arith.shli %xor3A_1866, %shift_left3A_1869 : vector<56x222xi32>
    %shift_right_logical3A_1871 = arith.constant 26 : i32
    %shift_right_logical3A_1872 = vector.broadcast %shift_right_logical3A_1871 : i32 to vector<56x222xi32>
    %shift_right_logical3A_1873 = arith.shrui %xor3A_1866, %shift_right_logical3A_1872 : vector<56x222xi32>
    %or3A_1874 = arith.ori %shift_left3A_1870, %shift_right_logical3A_1873 : vector<56x222xi32>
    %xor3A_1875 = arith.xori %or3A_1874, %add3A_1867 : vector<56x222xi32>
    %add3A_1876 = arith.constant 466689008 : i32
    %add3A_1877 = vector.broadcast %add3A_1876 : i32 to vector<56x222xi32>
    %add3A_1878 = arith.addi %add3A_1867, %add3A_1877 : vector<56x222xi32>
    %add3A_1879 = arith.constant 5 : i32
    %add3A_1880 = vector.broadcast %add3A_1879 : i32 to vector<56x222xi32>
    %add3A_1881 = arith.addi %xor3A_1875, %add3A_1880 : vector<56x222xi32>
    %xor3A_1882 = arith.xori %add3A_1878, %add3A_1881 : vector<56x222xi32>
    %shift_right_logical3A_1883 = arith.constant 9 : i32
    %shift_right_logical3A_1884 = vector.broadcast %shift_right_logical3A_1883 : i32 to vector<56x222xi32>
    %shift_right_logical3A_1885 = arith.shrui %xor3A_1882, %shift_right_logical3A_1884 : vector<56x222xi32>
    %or3A_1886 = arith.constant 1065353216 : i32
    %or3A_1887 = vector.broadcast %or3A_1886 : i32 to vector<56x222xi32>
    %or3A_1888 = arith.ori %shift_right_logical3A_1885, %or3A_1887 : vector<56x222xi32>
    %bitcast_convert_type3A_1889 = tpu.bitcast %or3A_1888 : vector<56x222xi32> -> vector<56x222xf32>
    %sub3A_1890 = arith.constant 1.000000e+00 : f32
    %sub3A_1891 = vector.broadcast %sub3A_1890 : f32 to vector<56x222xf32>
    %sub3A_1892 = arith.subf %bitcast_convert_type3A_1889, %sub3A_1891 : vector<56x222xf32>
    %max3A_1893 = arith.constant 1.17549435E-38 : f32
    %max3A_1894 = vector.broadcast %max3A_1893 : f32 to vector<56x222xf32>
    %max3A_1895 = arith.maximumf %sub3A_1892, %max3A_1894 : vector<56x222xf32>
    %max3A_1896 = arith.constant 0.000000e+00 : f32
    %max3A_1897 = vector.broadcast %max3A_1896 : f32 to vector<56x222xf32>
    %max3A_1898 = arith.maximumf %slice3A_1672, %max3A_1897 : vector<56x222xf32>
    %log3A_1899 = math.log %max3A_1895 : vector<56x222xf32>
    %neg3A_1900 = arith.constant 0.000000e+00 : f32
    %neg3A_1901 = vector.broadcast %neg3A_1900 : f32 to vector<56x222xf32>
    %neg3A_1902 = arith.subf %neg3A_1901, %log3A_1899 : vector<56x222xf32>
    %div3A_1903 = arith.divf %max3A_1898, %neg3A_1902 : vector<56x222xf32>
    %select_n3A_1904 = arith.select %le3A_24, %max3A_1895, %div3A_1903 : vector<56x222xi1>, vector<56x222xf32>
    %gt3A_1905 = arith.cmpf ogt, %select_n3A_1904, %select_n3A_1670 : vector<56x222xf32>
    %select_n3A_1906 = arith.select %gt3A_1905, %select_n3A_1904, %select_n3A_1670 : vector<56x222xi1>, vector<56x222xf32>
    %select_n3A_1907 = arith.select %gt3A_1905, %slice3A_1672, %select_n3A_1671 : vector<56x222xi1>, vector<56x222xf32>
    %slice3A_1908 = vector.extract_strided_slice %get3A_7 {offsets = [2, 2], sizes = [56, 222], strides = [1, 1]} : vector<64x224xf32> to vector<56x222xf32>
    %add3A_1909 = arith.constant 8 : i32
    %add3A_1910 = vector.broadcast %add3A_1909 : i32 to vector<56x222xi32>
    %add3A_1911 = arith.addi %add3A_27, %add3A_1910 : vector<56x222xi32>
    %shift_left3A_1912 = arith.constant 13 : i32
    %shift_left3A_1913 = vector.broadcast %shift_left3A_1912 : i32 to vector<56x222xi32>
    %shift_left3A_1914 = arith.shli %add3A_1911, %shift_left3A_1913 : vector<56x222xi32>
    %shift_right_logical3A_1915 = arith.constant 19 : i32
    %shift_right_logical3A_1916 = vector.broadcast %shift_right_logical3A_1915 : i32 to vector<56x222xi32>
    %shift_right_logical3A_1917 = arith.shrui %add3A_1911, %shift_right_logical3A_1916 : vector<56x222xi32>
    %or3A_1918 = arith.ori %shift_left3A_1914, %shift_right_logical3A_1917 : vector<56x222xi32>
    %xor3A_1919 = arith.xori %or3A_1918, %add3A_1911 : vector<56x222xi32>
    %add3A_1920 = arith.addi %add3A_1911, %xor3A_1919 : vector<56x222xi32>
    %shift_left3A_1921 = arith.constant 15 : i32
    %shift_left3A_1922 = vector.broadcast %shift_left3A_1921 : i32 to vector<56x222xi32>
    %shift_left3A_1923 = arith.shli %xor3A_1919, %shift_left3A_1922 : vector<56x222xi32>
    %shift_right_logical3A_1924 = arith.constant 17 : i32
    %shift_right_logical3A_1925 = vector.broadcast %shift_right_logical3A_1924 : i32 to vector<56x222xi32>
    %shift_right_logical3A_1926 = arith.shrui %xor3A_1919, %shift_right_logical3A_1925 : vector<56x222xi32>
    %or3A_1927 = arith.ori %shift_left3A_1923, %shift_right_logical3A_1926 : vector<56x222xi32>
    %xor3A_1928 = arith.xori %or3A_1927, %add3A_1920 : vector<56x222xi32>
    %add3A_1929 = arith.addi %add3A_1920, %xor3A_1928 : vector<56x222xi32>
    %shift_left3A_1930 = arith.constant 26 : i32
    %shift_left3A_1931 = vector.broadcast %shift_left3A_1930 : i32 to vector<56x222xi32>
    %shift_left3A_1932 = arith.shli %xor3A_1928, %shift_left3A_1931 : vector<56x222xi32>
    %shift_right_logical3A_1933 = arith.constant 6 : i32
    %shift_right_logical3A_1934 = vector.broadcast %shift_right_logical3A_1933 : i32 to vector<56x222xi32>
    %shift_right_logical3A_1935 = arith.shrui %xor3A_1928, %shift_right_logical3A_1934 : vector<56x222xi32>
    %or3A_1936 = arith.ori %shift_left3A_1932, %shift_right_logical3A_1935 : vector<56x222xi32>
    %xor3A_1937 = arith.xori %or3A_1936, %add3A_1929 : vector<56x222xi32>
    %add3A_1938 = arith.addi %add3A_1929, %xor3A_1937 : vector<56x222xi32>
    %shift_left3A_1939 = arith.constant 6 : i32
    %shift_left3A_1940 = vector.broadcast %shift_left3A_1939 : i32 to vector<56x222xi32>
    %shift_left3A_1941 = arith.shli %xor3A_1937, %shift_left3A_1940 : vector<56x222xi32>
    %shift_right_logical3A_1942 = arith.constant 26 : i32
    %shift_right_logical3A_1943 = vector.broadcast %shift_right_logical3A_1942 : i32 to vector<56x222xi32>
    %shift_right_logical3A_1944 = arith.shrui %xor3A_1937, %shift_right_logical3A_1943 : vector<56x222xi32>
    %or3A_1945 = arith.ori %shift_left3A_1941, %shift_right_logical3A_1944 : vector<56x222xi32>
    %xor3A_1946 = arith.xori %or3A_1945, %add3A_1938 : vector<56x222xi32>
    %add3A_1947 = arith.constant 42 : i32
    %add3A_1948 = vector.broadcast %add3A_1947 : i32 to vector<56x222xi32>
    %add3A_1949 = arith.addi %add3A_1938, %add3A_1948 : vector<56x222xi32>
    %add3A_1950 = arith.constant 466689009 : i32
    %add3A_1951 = vector.broadcast %add3A_1950 : i32 to vector<56x222xi32>
    %add3A_1952 = arith.addi %xor3A_1946, %add3A_1951 : vector<56x222xi32>
    %add3A_1953 = arith.addi %add3A_1949, %add3A_1952 : vector<56x222xi32>
    %shift_left3A_1954 = arith.constant 17 : i32
    %shift_left3A_1955 = vector.broadcast %shift_left3A_1954 : i32 to vector<56x222xi32>
    %shift_left3A_1956 = arith.shli %add3A_1952, %shift_left3A_1955 : vector<56x222xi32>
    %shift_right_logical3A_1957 = arith.constant 15 : i32
    %shift_right_logical3A_1958 = vector.broadcast %shift_right_logical3A_1957 : i32 to vector<56x222xi32>
    %shift_right_logical3A_1959 = arith.shrui %add3A_1952, %shift_right_logical3A_1958 : vector<56x222xi32>
    %or3A_1960 = arith.ori %shift_left3A_1956, %shift_right_logical3A_1959 : vector<56x222xi32>
    %xor3A_1961 = arith.xori %or3A_1960, %add3A_1953 : vector<56x222xi32>
    %add3A_1962 = arith.addi %add3A_1953, %xor3A_1961 : vector<56x222xi32>
    %shift_left3A_1963 = arith.constant 29 : i32
    %shift_left3A_1964 = vector.broadcast %shift_left3A_1963 : i32 to vector<56x222xi32>
    %shift_left3A_1965 = arith.shli %xor3A_1961, %shift_left3A_1964 : vector<56x222xi32>
    %shift_right_logical3A_1966 = arith.constant 3 : i32
    %shift_right_logical3A_1967 = vector.broadcast %shift_right_logical3A_1966 : i32 to vector<56x222xi32>
    %shift_right_logical3A_1968 = arith.shrui %xor3A_1961, %shift_right_logical3A_1967 : vector<56x222xi32>
    %or3A_1969 = arith.ori %shift_left3A_1965, %shift_right_logical3A_1968 : vector<56x222xi32>
    %xor3A_1970 = arith.xori %or3A_1969, %add3A_1962 : vector<56x222xi32>
    %add3A_1971 = arith.addi %add3A_1962, %xor3A_1970 : vector<56x222xi32>
    %shift_left3A_1972 = arith.constant 16 : i32
    %shift_left3A_1973 = vector.broadcast %shift_left3A_1972 : i32 to vector<56x222xi32>
    %shift_left3A_1974 = arith.shli %xor3A_1970, %shift_left3A_1973 : vector<56x222xi32>
    %shift_right_logical3A_1975 = arith.constant 16 : i32
    %shift_right_logical3A_1976 = vector.broadcast %shift_right_logical3A_1975 : i32 to vector<56x222xi32>
    %shift_right_logical3A_1977 = arith.shrui %xor3A_1970, %shift_right_logical3A_1976 : vector<56x222xi32>
    %or3A_1978 = arith.ori %shift_left3A_1974, %shift_right_logical3A_1977 : vector<56x222xi32>
    %xor3A_1979 = arith.xori %or3A_1978, %add3A_1971 : vector<56x222xi32>
    %add3A_1980 = arith.addi %add3A_1971, %xor3A_1979 : vector<56x222xi32>
    %shift_left3A_1981 = arith.constant 24 : i32
    %shift_left3A_1982 = vector.broadcast %shift_left3A_1981 : i32 to vector<56x222xi32>
    %shift_left3A_1983 = arith.shli %xor3A_1979, %shift_left3A_1982 : vector<56x222xi32>
    %shift_right_logical3A_1984 = arith.constant 8 : i32
    %shift_right_logical3A_1985 = vector.broadcast %shift_right_logical3A_1984 : i32 to vector<56x222xi32>
    %shift_right_logical3A_1986 = arith.shrui %xor3A_1979, %shift_right_logical3A_1985 : vector<56x222xi32>
    %or3A_1987 = arith.ori %shift_left3A_1983, %shift_right_logical3A_1986 : vector<56x222xi32>
    %xor3A_1988 = arith.xori %or3A_1987, %add3A_1980 : vector<56x222xi32>
    %add3A_1989 = arith.constant 466689008 : i32
    %add3A_1990 = vector.broadcast %add3A_1989 : i32 to vector<56x222xi32>
    %add3A_1991 = arith.addi %add3A_1980, %add3A_1990 : vector<56x222xi32>
    %add3A_1992 = arith.constant 2 : i32
    %add3A_1993 = vector.broadcast %add3A_1992 : i32 to vector<56x222xi32>
    %add3A_1994 = arith.addi %xor3A_1988, %add3A_1993 : vector<56x222xi32>
    %add3A_1995 = arith.addi %add3A_1991, %add3A_1994 : vector<56x222xi32>
    %shift_left3A_1996 = arith.constant 13 : i32
    %shift_left3A_1997 = vector.broadcast %shift_left3A_1996 : i32 to vector<56x222xi32>
    %shift_left3A_1998 = arith.shli %add3A_1994, %shift_left3A_1997 : vector<56x222xi32>
    %shift_right_logical3A_1999 = arith.constant 19 : i32
    %shift_right_logical3A_2000 = vector.broadcast %shift_right_logical3A_1999 : i32 to vector<56x222xi32>
    %shift_right_logical3A_2001 = arith.shrui %add3A_1994, %shift_right_logical3A_2000 : vector<56x222xi32>
    %or3A_2002 = arith.ori %shift_left3A_1998, %shift_right_logical3A_2001 : vector<56x222xi32>
    %xor3A_2003 = arith.xori %or3A_2002, %add3A_1995 : vector<56x222xi32>
    %add3A_2004 = arith.addi %add3A_1995, %xor3A_2003 : vector<56x222xi32>
    %shift_left3A_2005 = arith.constant 15 : i32
    %shift_left3A_2006 = vector.broadcast %shift_left3A_2005 : i32 to vector<56x222xi32>
    %shift_left3A_2007 = arith.shli %xor3A_2003, %shift_left3A_2006 : vector<56x222xi32>
    %shift_right_logical3A_2008 = arith.constant 17 : i32
    %shift_right_logical3A_2009 = vector.broadcast %shift_right_logical3A_2008 : i32 to vector<56x222xi32>
    %shift_right_logical3A_2010 = arith.shrui %xor3A_2003, %shift_right_logical3A_2009 : vector<56x222xi32>
    %or3A_2011 = arith.ori %shift_left3A_2007, %shift_right_logical3A_2010 : vector<56x222xi32>
    %xor3A_2012 = arith.xori %or3A_2011, %add3A_2004 : vector<56x222xi32>
    %add3A_2013 = arith.addi %add3A_2004, %xor3A_2012 : vector<56x222xi32>
    %shift_left3A_2014 = arith.constant 26 : i32
    %shift_left3A_2015 = vector.broadcast %shift_left3A_2014 : i32 to vector<56x222xi32>
    %shift_left3A_2016 = arith.shli %xor3A_2012, %shift_left3A_2015 : vector<56x222xi32>
    %shift_right_logical3A_2017 = arith.constant 6 : i32
    %shift_right_logical3A_2018 = vector.broadcast %shift_right_logical3A_2017 : i32 to vector<56x222xi32>
    %shift_right_logical3A_2019 = arith.shrui %xor3A_2012, %shift_right_logical3A_2018 : vector<56x222xi32>
    %or3A_2020 = arith.ori %shift_left3A_2016, %shift_right_logical3A_2019 : vector<56x222xi32>
    %xor3A_2021 = arith.xori %or3A_2020, %add3A_2013 : vector<56x222xi32>
    %add3A_2022 = arith.addi %add3A_2013, %xor3A_2021 : vector<56x222xi32>
    %shift_left3A_2023 = arith.constant 6 : i32
    %shift_left3A_2024 = vector.broadcast %shift_left3A_2023 : i32 to vector<56x222xi32>
    %shift_left3A_2025 = arith.shli %xor3A_2021, %shift_left3A_2024 : vector<56x222xi32>
    %shift_right_logical3A_2026 = arith.constant 26 : i32
    %shift_right_logical3A_2027 = vector.broadcast %shift_right_logical3A_2026 : i32 to vector<56x222xi32>
    %shift_right_logical3A_2028 = arith.shrui %xor3A_2021, %shift_right_logical3A_2027 : vector<56x222xi32>
    %or3A_2029 = arith.ori %shift_left3A_2025, %shift_right_logical3A_2028 : vector<56x222xi32>
    %xor3A_2030 = arith.xori %or3A_2029, %add3A_2022 : vector<56x222xi32>
    %add3A_2031 = arith.constant 45 : i32
    %add3A_2032 = vector.broadcast %add3A_2031 : i32 to vector<56x222xi32>
    %add3A_2033 = arith.addi %xor3A_2030, %add3A_2032 : vector<56x222xi32>
    %add3A_2034 = arith.addi %add3A_2022, %add3A_2033 : vector<56x222xi32>
    %shift_left3A_2035 = arith.constant 17 : i32
    %shift_left3A_2036 = vector.broadcast %shift_left3A_2035 : i32 to vector<56x222xi32>
    %shift_left3A_2037 = arith.shli %add3A_2033, %shift_left3A_2036 : vector<56x222xi32>
    %shift_right_logical3A_2038 = arith.constant 15 : i32
    %shift_right_logical3A_2039 = vector.broadcast %shift_right_logical3A_2038 : i32 to vector<56x222xi32>
    %shift_right_logical3A_2040 = arith.shrui %add3A_2033, %shift_right_logical3A_2039 : vector<56x222xi32>
    %or3A_2041 = arith.ori %shift_left3A_2037, %shift_right_logical3A_2040 : vector<56x222xi32>
    %xor3A_2042 = arith.xori %or3A_2041, %add3A_2034 : vector<56x222xi32>
    %add3A_2043 = arith.addi %add3A_2034, %xor3A_2042 : vector<56x222xi32>
    %shift_left3A_2044 = arith.constant 29 : i32
    %shift_left3A_2045 = vector.broadcast %shift_left3A_2044 : i32 to vector<56x222xi32>
    %shift_left3A_2046 = arith.shli %xor3A_2042, %shift_left3A_2045 : vector<56x222xi32>
    %shift_right_logical3A_2047 = arith.constant 3 : i32
    %shift_right_logical3A_2048 = vector.broadcast %shift_right_logical3A_2047 : i32 to vector<56x222xi32>
    %shift_right_logical3A_2049 = arith.shrui %xor3A_2042, %shift_right_logical3A_2048 : vector<56x222xi32>
    %or3A_2050 = arith.ori %shift_left3A_2046, %shift_right_logical3A_2049 : vector<56x222xi32>
    %xor3A_2051 = arith.xori %or3A_2050, %add3A_2043 : vector<56x222xi32>
    %add3A_2052 = arith.addi %add3A_2043, %xor3A_2051 : vector<56x222xi32>
    %shift_left3A_2053 = arith.constant 16 : i32
    %shift_left3A_2054 = vector.broadcast %shift_left3A_2053 : i32 to vector<56x222xi32>
    %shift_left3A_2055 = arith.shli %xor3A_2051, %shift_left3A_2054 : vector<56x222xi32>
    %shift_right_logical3A_2056 = arith.constant 16 : i32
    %shift_right_logical3A_2057 = vector.broadcast %shift_right_logical3A_2056 : i32 to vector<56x222xi32>
    %shift_right_logical3A_2058 = arith.shrui %xor3A_2051, %shift_right_logical3A_2057 : vector<56x222xi32>
    %or3A_2059 = arith.ori %shift_left3A_2055, %shift_right_logical3A_2058 : vector<56x222xi32>
    %xor3A_2060 = arith.xori %or3A_2059, %add3A_2052 : vector<56x222xi32>
    %add3A_2061 = arith.addi %add3A_2052, %xor3A_2060 : vector<56x222xi32>
    %shift_left3A_2062 = arith.constant 24 : i32
    %shift_left3A_2063 = vector.broadcast %shift_left3A_2062 : i32 to vector<56x222xi32>
    %shift_left3A_2064 = arith.shli %xor3A_2060, %shift_left3A_2063 : vector<56x222xi32>
    %shift_right_logical3A_2065 = arith.constant 8 : i32
    %shift_right_logical3A_2066 = vector.broadcast %shift_right_logical3A_2065 : i32 to vector<56x222xi32>
    %shift_right_logical3A_2067 = arith.shrui %xor3A_2060, %shift_right_logical3A_2066 : vector<56x222xi32>
    %or3A_2068 = arith.ori %shift_left3A_2064, %shift_right_logical3A_2067 : vector<56x222xi32>
    %xor3A_2069 = arith.xori %or3A_2068, %add3A_2061 : vector<56x222xi32>
    %add3A_2070 = arith.constant 42 : i32
    %add3A_2071 = vector.broadcast %add3A_2070 : i32 to vector<56x222xi32>
    %add3A_2072 = arith.addi %add3A_2061, %add3A_2071 : vector<56x222xi32>
    %add3A_2073 = arith.constant 466689012 : i32
    %add3A_2074 = vector.broadcast %add3A_2073 : i32 to vector<56x222xi32>
    %add3A_2075 = arith.addi %xor3A_2069, %add3A_2074 : vector<56x222xi32>
    %add3A_2076 = arith.addi %add3A_2072, %add3A_2075 : vector<56x222xi32>
    %shift_left3A_2077 = arith.constant 13 : i32
    %shift_left3A_2078 = vector.broadcast %shift_left3A_2077 : i32 to vector<56x222xi32>
    %shift_left3A_2079 = arith.shli %add3A_2075, %shift_left3A_2078 : vector<56x222xi32>
    %shift_right_logical3A_2080 = arith.constant 19 : i32
    %shift_right_logical3A_2081 = vector.broadcast %shift_right_logical3A_2080 : i32 to vector<56x222xi32>
    %shift_right_logical3A_2082 = arith.shrui %add3A_2075, %shift_right_logical3A_2081 : vector<56x222xi32>
    %or3A_2083 = arith.ori %shift_left3A_2079, %shift_right_logical3A_2082 : vector<56x222xi32>
    %xor3A_2084 = arith.xori %or3A_2083, %add3A_2076 : vector<56x222xi32>
    %add3A_2085 = arith.addi %add3A_2076, %xor3A_2084 : vector<56x222xi32>
    %shift_left3A_2086 = arith.constant 15 : i32
    %shift_left3A_2087 = vector.broadcast %shift_left3A_2086 : i32 to vector<56x222xi32>
    %shift_left3A_2088 = arith.shli %xor3A_2084, %shift_left3A_2087 : vector<56x222xi32>
    %shift_right_logical3A_2089 = arith.constant 17 : i32
    %shift_right_logical3A_2090 = vector.broadcast %shift_right_logical3A_2089 : i32 to vector<56x222xi32>
    %shift_right_logical3A_2091 = arith.shrui %xor3A_2084, %shift_right_logical3A_2090 : vector<56x222xi32>
    %or3A_2092 = arith.ori %shift_left3A_2088, %shift_right_logical3A_2091 : vector<56x222xi32>
    %xor3A_2093 = arith.xori %or3A_2092, %add3A_2085 : vector<56x222xi32>
    %add3A_2094 = arith.addi %add3A_2085, %xor3A_2093 : vector<56x222xi32>
    %shift_left3A_2095 = arith.constant 26 : i32
    %shift_left3A_2096 = vector.broadcast %shift_left3A_2095 : i32 to vector<56x222xi32>
    %shift_left3A_2097 = arith.shli %xor3A_2093, %shift_left3A_2096 : vector<56x222xi32>
    %shift_right_logical3A_2098 = arith.constant 6 : i32
    %shift_right_logical3A_2099 = vector.broadcast %shift_right_logical3A_2098 : i32 to vector<56x222xi32>
    %shift_right_logical3A_2100 = arith.shrui %xor3A_2093, %shift_right_logical3A_2099 : vector<56x222xi32>
    %or3A_2101 = arith.ori %shift_left3A_2097, %shift_right_logical3A_2100 : vector<56x222xi32>
    %xor3A_2102 = arith.xori %or3A_2101, %add3A_2094 : vector<56x222xi32>
    %add3A_2103 = arith.addi %add3A_2094, %xor3A_2102 : vector<56x222xi32>
    %shift_left3A_2104 = arith.constant 6 : i32
    %shift_left3A_2105 = vector.broadcast %shift_left3A_2104 : i32 to vector<56x222xi32>
    %shift_left3A_2106 = arith.shli %xor3A_2102, %shift_left3A_2105 : vector<56x222xi32>
    %shift_right_logical3A_2107 = arith.constant 26 : i32
    %shift_right_logical3A_2108 = vector.broadcast %shift_right_logical3A_2107 : i32 to vector<56x222xi32>
    %shift_right_logical3A_2109 = arith.shrui %xor3A_2102, %shift_right_logical3A_2108 : vector<56x222xi32>
    %or3A_2110 = arith.ori %shift_left3A_2106, %shift_right_logical3A_2109 : vector<56x222xi32>
    %xor3A_2111 = arith.xori %or3A_2110, %add3A_2103 : vector<56x222xi32>
    %add3A_2112 = arith.constant 466689008 : i32
    %add3A_2113 = vector.broadcast %add3A_2112 : i32 to vector<56x222xi32>
    %add3A_2114 = arith.addi %add3A_2103, %add3A_2113 : vector<56x222xi32>
    %add3A_2115 = arith.constant 5 : i32
    %add3A_2116 = vector.broadcast %add3A_2115 : i32 to vector<56x222xi32>
    %add3A_2117 = arith.addi %xor3A_2111, %add3A_2116 : vector<56x222xi32>
    %xor3A_2118 = arith.xori %add3A_2114, %add3A_2117 : vector<56x222xi32>
    %shift_right_logical3A_2119 = arith.constant 9 : i32
    %shift_right_logical3A_2120 = vector.broadcast %shift_right_logical3A_2119 : i32 to vector<56x222xi32>
    %shift_right_logical3A_2121 = arith.shrui %xor3A_2118, %shift_right_logical3A_2120 : vector<56x222xi32>
    %or3A_2122 = arith.constant 1065353216 : i32
    %or3A_2123 = vector.broadcast %or3A_2122 : i32 to vector<56x222xi32>
    %or3A_2124 = arith.ori %shift_right_logical3A_2121, %or3A_2123 : vector<56x222xi32>
    %bitcast_convert_type3A_2125 = tpu.bitcast %or3A_2124 : vector<56x222xi32> -> vector<56x222xf32>
    %sub3A_2126 = arith.constant 1.000000e+00 : f32
    %sub3A_2127 = vector.broadcast %sub3A_2126 : f32 to vector<56x222xf32>
    %sub3A_2128 = arith.subf %bitcast_convert_type3A_2125, %sub3A_2127 : vector<56x222xf32>
    %max3A_2129 = arith.constant 1.17549435E-38 : f32
    %max3A_2130 = vector.broadcast %max3A_2129 : f32 to vector<56x222xf32>
    %max3A_2131 = arith.maximumf %sub3A_2128, %max3A_2130 : vector<56x222xf32>
    %max3A_2132 = arith.constant 0.000000e+00 : f32
    %max3A_2133 = vector.broadcast %max3A_2132 : f32 to vector<56x222xf32>
    %max3A_2134 = arith.maximumf %slice3A_1908, %max3A_2133 : vector<56x222xf32>
    %log3A_2135 = math.log %max3A_2131 : vector<56x222xf32>
    %neg3A_2136 = arith.constant 0.000000e+00 : f32
    %neg3A_2137 = vector.broadcast %neg3A_2136 : f32 to vector<56x222xf32>
    %neg3A_2138 = arith.subf %neg3A_2137, %log3A_2135 : vector<56x222xf32>
    %div3A_2139 = arith.divf %max3A_2134, %neg3A_2138 : vector<56x222xf32>
    %select_n3A_2140 = arith.select %le3A_24, %max3A_2131, %div3A_2139 : vector<56x222xi1>, vector<56x222xf32>
    %gt3A_2141 = arith.cmpf ogt, %select_n3A_2140, %select_n3A_1906 : vector<56x222xf32>
    %select_n3A_2142 = arith.select %gt3A_2141, %slice3A_1908, %select_n3A_1907 : vector<56x222xi1>, vector<56x222xf32>
    %swap3A = arith.constant 0 : index
    %swap3A_2143 = arith.constant 0 : index
    %swap3A_2144 = arith.constant 0 : index
    %swap3A_2145 = vector.load %arg4[%swap3A, %swap3A_2143, %swap3A_2144] : memref<1x56x222xf32, #tpu.memory_space<vmem>>, vector<1x56x222xf32>
    %swap3A_2146 = vector.shape_cast %swap3A_2145 : vector<1x56x222xf32> to vector<56x222xf32>
    %swap3A_2147 = vector.shape_cast %select_n3A_2142 : vector<56x222xf32> to vector<1x56x222xf32>
    tpu.vector_store %arg4[%swap3A, %swap3A_2143, %swap3A_2144], %swap3A_2147 {strides = array<i32>} : memref<1x56x222xf32, #tpu.memory_space<vmem>>, vector<1x56x222xf32>,
    return
  }
  func.func @transform_0(%arg0: i32, %arg1: i32) -> (i32, i32, i32) {
    %c0_i32 = arith.constant 0 : i32
    %c0_i32_0 = arith.constant 0 : i32
    %c0_i32_1 = arith.constant 0 : i32
    return %arg0, %c0_i32, %c0_i32_0 : i32, i32, i32
  }
  func.func @transform_1(%arg0: i32, %arg1: i32) -> (i32, i32) {
    %c0_i32 = arith.constant 0 : i32
    %c0_i32_0 = arith.constant 0 : i32
    return %arg1, %c0_i32 : i32, i32
  }
  func.func @transform_2(%arg0: i32, %arg1: i32) -> (i32, i32, i32) {
    %c0_i32 = arith.constant 0 : i32
    %c0_i32_0 = arith.constant 0 : i32
    return %arg0, %arg1, %c0_i32 : i32, i32, i32
  }
}

</mosaic_0001>

<sc_bundles>
// kernel: sparse-core-data-format-call.cloned.1.call-start
scs
called_computation_lowered:
.L_overlay_start_0:
0x0: {  	s2 =	sld [smem:$0x3FD9]  }
0x1: {  	s3 =	sld [smem:$0x3FFE];
	_ =	sdelay $0x1  }
0x2: {  	s1 =	srdreg.scid  }
0x3: {  	s0 =	sand.u32 $0x1, s1  }
0x4: {  	s18 =	sshll.u32 s0, $0xA;
	s2 =	sadd.s32 s3, s2  }
0x5: {  	s2 =	sadd.s32 s2, s18  }
0x6: {  	[smem:$0x3FC7] =	sst s2  }
0x7: {  	_ = 	snop  }
0x8: {  	s2 =	sld [smem:$0x3FD0];
	(tm) =	ssettm $0x1  }
0x9: {  	s19 =	sld [smem:$0x3FFB];
	_ =	sdelay $0x3  }
0xa: {  	_ =	strace s19  }
0xb: {  	s3 =	sld [smem:$0x3FFC];
	_ =	sdelay $0x3  }
0xc: {  	_ =	strace s3  }
0xd: {  	s3 =	sld [smem:$0x3FFD];
	_ =	sdelay $0x3  }
0xe: {  	_ =	strace s3  }
0xf: {  	_ =	strace $0x8FFFFFFF  }
0x10: {  	s20 =	sld [smem:$0x3FDB];
	_ =	sdelay $0x1  }
0x11: {  	s4 =	simm.s32 $_scs_section_size  }
0x12: {  	s5 =	simm.s32 $_size__tile_overlayer_lowered;
	s6 =	simm.s32 $_tile_overlayer_lowered  }
0x13: {  	s23 =	simm.s32 $0x1BFF;
	s22 =	sshll.u32 s6, $0x1;
	s3 =	sadd.s32 s4, s20  }
0x14: {  	s7 =	simm.s32 $0x0;
	s21 =	sshll.u32 s5, $0x1;
	s5 =	sadd.s32 s22, s3  }
0x15: {  	[timem:s7], [sflag:s23] =	dma.local [hbm:s5], s21  }
0x16: {  	_ =	swait.ge [sflag:s23], s21  }
0x17: {  	s4 =	ssub.s32 $0x0, s21;
	[sflag:s23] =	ssyncset.done $0x0  }
0x18: {  	[sflag:s23] =	ssyncadd.s32 s4;
	_ =	sdelay $0x1  }
0x19: {  	s24 =	simm.s32 $0x1B8B  }
0x1a: {  	_ =	swait.ge [sflag:s24], $0x1  }
0x1b: {  	[sflag:s24] =	ssyncset.done $0x0  }
0x1c: {  	s26 =	simm.s32 $0x1B8E;
	s25 =	sld [smem:$0x3FFE];
	[sflag:s24] =	ssyncadd.s32 $0xFFFFFFFF  }
0x1d: {  	s27 =	simm.s32 $execute0_lowered;
	[smem:$0x3FD2] =	sst s26  }
0x1e: {  	s5 =	sshll.u32 s27, $0x1;
	_ =	strace $0x80000046;
	[dreg:$0x1] =	wrdreg $0xFFFFFFFF  }
0x1f: {  	s28 =	simm.s32 $_size_execute0_lowered;
	s3 =	sadd.s32 s3, s5;
	[dreg:$0x0] =	wrdreg $0x0  }
0x20: {  	s5 =	sshll.u32 s28, $0x1;
	[dreg:$0x2] =	wrdreg s3  }
0x21: {  	[dreg:$0x3] =	wrdreg s5  }
0x22: {  	[dreg:$0x4] =	wrdreg $0xC0  }
0x23: {  	_ =	task [dreg:s7], $0x5FFFF  }
0x24: {  	[dreg:$0x1] =	wrdreg $0xFFFFFFFF  }
0x25: {  	[dreg:$0x0] =	wrdreg $0x60  }
0x26: {  	[dreg:$0x2] =	wrdreg s25  }
0x27: {  	[dreg:$0x3] =	wrdreg s2  }
0x28: {  	[dreg:$0x4] =	wrdreg $0x9  }
0x29: {  	_ =	task.clear_ibuf [dreg:s7], $0x5FFFF;
	_ =	strace $0x90000046  }
0x2a: {  	s29 =	simm.s32 $0x9;
	_ =	strace $0x80000048  }
0x2b: {  	_ =	swait.ge [sflag:s29], $0x1  }
0x2c: {  	[sflag:s29] =	ssyncadd.s32 $0xFFFFFFFF  }
0x2d: {  	_ =	strace $0x90000048  }
0x2e: {  	_ =	sfence  }
0x2f: {  	s30 =	sld [smem:$0x0];
	_ =	sdelay $0x2  }
0x30: {  	s31 =	sshll.u32 s1, $0xD;
	s1 =	sshrl.u32 s1, $0x2  }
0x31: {  	s3 =	sand.u32 $0x4000, s31;
	s1 =	sadd.s32 s1, s30  }
0x32: {  	s0 =	sor.u32 s3, s0;
	s1 =	sshll.u32 s1, $0x11  }
0x33: {  	s0 =	sor.u32 s1, s0  }
0x34: {  	s0 =	sadd.s32 $0x8F2B, s0  }
0x35: {  	[sflag:s0] =	ssyncadd.remote.s32 $0x1  }
0x36: {  	_ =	sfence.sel $0xFFFF  }
0x37: {  	[dreg:$0x0] =	wrdreg $0xFFFFFFFF;
	(pc) =	sbr.abs _section_cstart, $3  }
0x38: {  	[dreg:$0x1] =	wrdreg $0xFFFFFFFF  }
0x39: {  	_ =	task.clear_ibuf [dreg:s7], $0x2FFFF;
	_ =	strace $0x9FFFFFFF  }
0x3a: {  	(tm) =	ssettm $0x7FFFFFFF  }
0x3b: {  	_ =	shalt  }
tec
execute0_lowered:
.L_overlay_start_1:
0x0: {  	(tag) =	ssettag $0x1  }
0x1: {  	s2 =	stileid.u32;
	s0 =	srdreg.scid  }
0x2: {  	s30 =	rddreg [dreg:$0x0];
	s1 =	sshll.u32 s2, $0x2;
	s0 =	sshll.u32 s0, $0x6  }
0x3: {  	_ =	strace $0x80000047;
	s31 =	simm.s32 $0x2;
	s0 =	sor.u32 s1, s0  }
0x4: {  	s19 =	simm.s32 $0x0;
	s1 =	sand.u32 $0x1, s2;
	s3 =	sand.u32 $0x78, s0  }
0x5: {  	s10 =	simm.s32 $0x6000;
	s2 =	ssub.s32 $0x2, s1;
	s4 =	ssub.s32 $0xD8, s3  }
0x6: {  	s5 =	sshrl.u32 s2, $0x1;
	s2 =	sand.u32 $0x1, s2;
	s4 =	sshrl.u32 s4, $0x7  }
0x7: {  	s11 =	simm.s32 $0x0;
	s2 =	sadd.s32 s2, s5;
	s4 =	sadd.s32 $0x1, s4  }
0x8: {  	s20 =	simm.s32 $0x0;
	s21 =	simm.s32 $0x0;
	s2 =	smul.u32 s4, s2  }
.Ltmp0:
0x9: {  	s12 =	simm.s32 $0x0;
	s13 =	simm.s32 $0x0;
	(pc) =	sbr.rel .LBB1_1-.Ltmp0, $4  }
0xa: {  	s14 =	simm.s32 $0x0;
	s16 =	simm.s32 $0x0;
	s18 =	simm.s32 $0x0  }
0xb: {  	s27 =	simm.s32 $0x0;
	s5 =	simm.s32 $0x1;
	s6 =	smul.u32 $0xC, s2  }
0xc: {  	s7 =	sadd.s32 $0x600, s30;
	s17 =	smov.u32 s1;
	[sflag:s5] =	ssyncpa.u1 $0x0  }
0xd: {  	s15 =	smov.u32 s3;
	[sflag:s31] =	ssyncpa.u1 $0x0;
	s8 =	sor.u32 $0x1, s6  }
.LBB1_7:
0xe: {  	p0 =	slt.u32 s18, $0x2  }
0xf: {  	s0 =	smov.u32 s21;
	p1 =	sgt.s32 @!p0 s21, $0x1  }
0x10: {  	s2 =	sshra.s32 @!p0 s21, $0x1F;
	p2 =	sgt.s32 @!p0 s19, $0xD6;
	s4 =	sshra.s32 @!p0 s19, $0x1F  }
0x11: {  	s9 =	sshra.s32 @!p0 s20, $0x1F;
	p1 =	por !p1, p0;
	s2 =	sand.u32 @!p0 s2, s21  }
0x12: {  	s0 =	simm.s32 @p1 $0x1;
	p1 =	por !p2, p0;
	p2 =	sgt.s32 @!p0 s20, $0x58  }
0x13: {  	s4 =	sand.u32 @!p0 s4, s19;
	s9 =	sand.u32 @!p0 s9, s20;
	p2 =	por !p2, p0  }
0x14: {  	s2 =	sxor.u32 @!p0 $0xFFFFFFFF, s2;
	s19 =	simm.s32 @p1 $0xD6;
	s20 =	simm.s32 @p2 $0x58  }
0x15: {  	s0 =	sadd.s32 @!p0 s2, s0;
	s2 =	ssub.s32 @!p0 s19, s4;
	s4 =	ssub.s32 @!p0 s20, s9  }
0x16: {  	p1 =	sgt.s32 @!p0 s0, $0x0;
	s0 =	sshll.u32 @!p0 s0, $0x8;
	s19 =	sadd.s32 @!p0 $0xFFFFFFA8, s4  }
0x17: {  	s9 =	sadd.s32 @!p0 $0xFFFFFF2A, s2;
	s0 =	ssub.s32 @!p0 $0x100, s0;
	p2 =	sgt.s32 @!p0 s19, $0x7  }
0x18: {  	p1 =	por !p1, p0;
	s4 =	ssub.s32 @!p0 $0x60, s4;
	p2 =	por !p2, p0  }
0x19: {  	s0 =	simm.s32 @!p1 $0x0;
	s4 =	simm.s32 @!p2 $0x0;
	p2 =	sgt.s32 @!p0 s9, $0x7  }
0x1a: {  	s2 =	ssub.s32 @!p0 $0xDE, s2;
	p1 =	por !p2, p0;
	s0 =	smul.u32 @!p0 s4, s0  }
0x1b: {  	s2 =	simm.s32 @!p1 $0x0  }
0x1c: {  	s0 =	smul.u32 @!p0 s2, s0;
	s2 =	sadd.s32 $0x80, s15  }
0x1d: {  	s9 =	smov.u32 s16;
	s4 =	sadd.s32 $0x8, s16;
	p1 =	sgt.s32 s2, $0xDD  }
0x1e: {  	s9 =	smov.u32 @p1 s4  }
0x1f: {  	s23 =	smov.u32 s17;
	s4 =	sadd.s32 $0x2, s17;
	p2 =	sgt.s32 s9, $0x5F  }
0x20: {  	s11 =	sadd.s32 $0x4000, s11;
	s22 =	simm.s32 @!p0 $0x2;
	s23 =	smov.u32 @p2 s4  }
0x21: {  	s21 =	smov.u32 s14;
	s2 =	smov.u32 @p1 s3;
	p1 =	sgt.s32 s23, $0x1  }
0x22: {  	s14 =	smov.u32 s17;
	s23 =	smov.u32 @p1 s1;
	p1 =	sne.s32 s18, s8  }
.Ltmp1:
0x23: {  	s20 =	smov.u32 s13;
	s0 =	sand.u32 @!p0 $0x3FFFFF00, s0;
	(pc) =	sbr.rel @!p1 .LBB1_8-.Ltmp1, $4  }
0x24: {  	s13 =	smov.u32 s16;
	s19 =	smov.u32 s12;
	_ =	swait.ge @!p0 [sflag:s22], s0  }
0x25: {  	s12 =	smov.u32 s15;
	s0 =	ssub.s32 @!p0 $0x0, s0;
	[sflag:s22] =	ssyncset.done @!p0 $0x0  }
0x26: {  	s15 =	smov.u32 s2;
	s9 =	simm.s32 @p2 $0x0;
	[sflag:s22] =	ssyncadd.s32 @!p0 s0  }
0x27: {  	s16 =	smov.u32 s9;
	s18 =	sadd.s32 $0x1, s18;
	s17 =	smov.u32 s23  }
.LBB1_1:
0x28: {  	p0 =	sge.u32 s18, s6  }
0x29: {  	s0 =	sshll.u32 @!p0 s15, $0x8;
	s2 =	sshll.u32 @!p0 s15, $0x7  }
0x2a: {  	s0 =	sand.u32 @!p0 $0xFFFFF800, s0;
	s2 =	sand.u32 @!p0 $0x300, s2  }
0x2b: {  	s0 =	sor.u32 @!p0 s2, s0  }
0x2c: {  	s0 =	sshrl.u32 @!p0 s0, $0x8  }
0x2d: {  	s2 =	smulhi.u32 @!p0 $0x124924A, s0  }
0x2e: {  	s4 =	smul.u32 @!p0 $0xA8000, s17  }
0x2f: {  	s2 =	smul.u32 @!p0 $0xE0, s2  }
0x30: {  	s31 =	sadd.s32 $0xFFFFFFFF, s18;
	s9 =	sxor.u32 @!p0 $0xFFFFFFFF, s18;
	s22 =	smul.u32 @!p0 $0x1C00, s16  }
0x31: {  	s4 =	sadd.s32 @!p0 s7, s4;
	s0 =	ssub.s32 @!p0 s0, s2;
	s2 =	sshll.u32 @!p0 s15, $0x4  }
0x32: {  	s9 =	sshll.u32 @!p0 s9, $0xE;
	s4 =	sadd.s32 @!p0 s22, s4;
	s2 =	sand.u32 @!p0 $0x10, s2  }
0x33: {  	s9 =	sand.u32 @!p0 $0x4000, s9;
	s0 =	sshll.u32 @!p0 s0, $0x5;
	s2 =	sadd.s32 @!p0 s2, s4  }
0x34: {  	s4 =	simm.s32 @!p0 $0xE000;
	s0 =	sadd.s32 @!p0 s0, s2;
	s2 =	simm.s32 @!p0 $0x800  }
0x35: {  	[tilespmem:s9], [sflag:$0x1] =	stream.strided.gather @!p0 [hbm4b:s0+s2], $0x4000, s4, s2, $0x38;
	[tilespmem:$0x10000] =	vst v63  }
0x36: {  	p0 =	sge.u32 s31, s6  }
.Ltmp2:
0x37: {  	_ = 	snop;
	(pc) =	sbr.rel @p0 .LBB1_7-.Ltmp2, $1  }
0x38: {  	_ =	sdelay $0x3  }
0x39: {  	s0 =	sshll.u32 s11, $0x2;
	_ =	swait.ge [sflag:s5], $0x4000;
	s4 =	sshll.u32 s18, $0xE  }
0x3a: {  	p0 =	por $0x0, $0x0;
	s28 =	simm.s32 $0x0;
	s29 =	simm.s32 $0x0  }
0x3b: {  	s0 =	sand.u32 $0x10000, s0;
	[sflag:s5] =	ssyncset.done $0x0;
	s25 =	sand.u32 $0x4000, s4  }
0x3c: {  	s0 =	sshrl.u32 s0, $0x2;
	[sflag:s5] =	ssyncadd.s32 $0xFFFFC000;
	s22 =	sor.u32 $0x8000, s25  }
0x3d: {  	s23 =	sor.u32 $0x40, s0;
	s2 =	sor.u32 $0x8410, s0;
	s26 =	sadd.s32 $0x8400, s0  }
.LBB1_3:
0x3e: {  	v1 =	vld [tilespmem:s23+$0xFFFFFFD0]  }
0x3f: {  	v2 =	vld [tilespmem:s23+$0x430]  }
0x40: {  	s0 =	sshll.u32 s29, $0xB;
	v4 =	vld [tilespmem:s23+$0xFFFFFFE0]  }
0x41: {  	v7 =	vld [tilespmem:s23+$0xFFFFFFF0];
	v0 =	vmov s0  }
0x42: {  	v8 =	vld [tilespmem:s23+$0x0]  }
0x43: {  	s9 =	sand.u32 $0x300, s27;
	v9 =	vld [tilespmem:s23+$0x10]  }
0x44: {  	s4 =	sand.u32 $0x80, s27;
	v10 =	vld [tilespmem:s23+$0x20];
	s0 =	sadd.s32 s9, s25  }
0x45: {  	v11 =	vld [tilespmem:s23+$0x30];
	s0 =	sadd.s32 s4, s0;
	s4 =	simm.s32 $0x1;
	[tilespmem:s2+$0x60] =	vst v2  }
0x46: {  	s24 =	sshll.u32 s28, $0x2;
	s4 =	simm.s32 @!p0 $0x0;
	[tilespmem:s2+$0xFFFFFC00] =	vst v1;
	v3 =	vld.idx.msk [tilespmem:v0+s0+$0x400 ss:$0x1], $0xffff  }
0x47: {  	v6 =	vld [tilespmem:s23+$0x3D0];
	s4 =	sshll.u32 s4, $0x9;
	[tilespmem:s2+$0xFFFFFC10] =	vst v4;
	s0 =	sand.u32 $0xFFFFFC00, s24  }
0x48: {  	v5 =	vld [tilespmem:s23+$0x3E0];
	[tilespmem:s2+$0xFFFFFC20] =	vst v7;
	s0 =	sor.u32 s4, s0  }
0x49: {  	[tilespmem:s2+$0xFFFFFC30] =	vst v8;
	v4 =	vld [tilespmem:s23+$0x400];
	s0 =	sshrl.u32 s0, $0x2  }
0x4a: {  	[tilespmem:s2+$0xFFFFFC40] =	vst v9;
	v1 =	vld [tilespmem:s23+$0x410];
	s30 =	sadd.s32 s0, s26  }
0x4b: {  	[tilespmem:s30+$0x0] =	vst v3;
	v3 =	vld [tilespmem:s23+$0x3F0]  }
0x4c: {  	s31 =	sadd.s32 $0x80, s23;
	[tilespmem:s2+$0xFFFFFC50] =	vst v10;
	v2 =	vld [tilespmem:s23+$0x420];
	s4 =	simm.s32 $0x80  }
0x4d: {  	v7 =	vld [tilespmem:s23+$0xFFFFFFC0];
	[tilespmem:s2+$0xFFFFFC60] =	vst v11;
	s24 =	smov.u32 s2;
	s9 =	sand.u32 $0x300, s4;
	s0 =	simm.s32 $0x100  }
.LBB1_4:
0x4e: {  	p1 =	sne.s32 s0, $0x380;
	v8 =	vld [tilespmem:s31+$0xFFFFFFD0];
	s4 =	sand.u32 $0x80, s4;
	s9 =	sadd.s32 s9, s25;
	[tilespmem:s24+$0x0] =	vst v6  }
0x4f: {  	s9 =	sadd.s32 s4, s9;
	v6 =	vld [tilespmem:s31+$0x430];
	[tilespmem:s24+$0x10] =	vst v5;
	s4 =	smov.u32 s0  }
0x50: {  	v5 =	vld.idx.msk [tilespmem:v0+s9+$0x400 ss:$0x1], $0xffff;
	[tilespmem:s24+$0x20] =	vst v3  }
0x51: {  	v3 =	vld [tilespmem:s31+$0xFFFFFFE0];
	[tilespmem:s24+$0x30] =	vst v4  }
0x52: {  	v4 =	vld [tilespmem:s31+$0xFFFFFFF0];
	[tilespmem:s24+$0xFFFFFBF0] =	vst v7  }
0x53: {  	v7 =	vld [tilespmem:s31+$0x0];
	[tilespmem:s24+$0x40] =	vst v1  }
0x54: {  	v1 =	vld [tilespmem:s31+$0x10];
	[tilespmem:s24+$0x50] =	vst v2;
	s24 =	sadd.s32 $0x800, s24  }
0x55: {  	s30 =	sadd.s32 $0x800, s30;
	v2 =	vld [tilespmem:s31+$0x20];
	[tilespmem:s24+$0x60] =	vst v6  }
0x56: {  	v9 =	vld [tilespmem:s31+$0x30];
	[tilespmem:s30+$0x0] =	vst v5  }
0x57: {  	[tilespmem:s24+$0xFFFFFC00] =	vst v8;
	v6 =	vld [tilespmem:s31+$0x3D0]  }
0x58: {  	[tilespmem:s24+$0xFFFFFC10] =	vst v3;
	v5 =	vld [tilespmem:s31+$0x3E0]  }
.Ltmp3:
0x59: {  	[tilespmem:s24+$0xFFFFFC20] =	vst v4;
	v3 =	vld [tilespmem:s31+$0x3F0];
	(pc) =	sbr.rel @p1 .LBB1_4-.Ltmp3, $4  }
0x5a: {  	[tilespmem:s24+$0xFFFFFC30] =	vst v7;
	v4 =	vld [tilespmem:s31+$0x400]  }
0x5b: {  	[tilespmem:s24+$0xFFFFFC40] =	vst v1;
	v1 =	vld [tilespmem:s31+$0x410]  }
0x5c: {  	[tilespmem:s24+$0xFFFFFC50] =	vst v2;
	v2 =	vld [tilespmem:s31+$0x420]  }
0x5d: {  	s0 =	sadd.s32 $0x80, s0;
	s9 =	sand.u32 $0x300, s4;
	v7 =	vld [tilespmem:s31+$0xFFFFFFC0];
	[tilespmem:s24+$0xFFFFFC60] =	vst v9;
	s31 =	sadd.s32 $0x80, s31  }
0x5e: {  	[tilespmem:s24+$0x0] =	vst v6  }
0x5f: {  	[tilespmem:s24+$0x10] =	vst v5  }
0x60: {  	v49 =	vld [tilespmem:s31+$0x430];
	[tilespmem:s24+$0x20] =	vst v3  }
0x61: {  	v50 =	vld [tilespmem:s31+$0xFFFFFFD0];
	[tilespmem:s24+$0x30] =	vst v4  }
0x62: {  	v51 =	vld [tilespmem:s31+$0xFFFFFFE0];
	[tilespmem:s24+$0x40] =	vst v1  }
0x63: {  	v52 =	vld [tilespmem:s31+$0xFFFFFFF0];
	[tilespmem:s24+$0x50] =	vst v2  }
0x64: {  	v53 =	vld [tilespmem:s31+$0x0];
	[tilespmem:s24+$0xFFFFFBF0] =	vst v7;
	s24 =	sadd.s32 $0x800, s24  }
0x65: {  	v54 =	vld [tilespmem:s31+$0x10];
	[tilespmem:s24+$0x60] =	vst v49  }
0x66: {  	v55 =	vld [tilespmem:s31+$0x20];
	[tilespmem:s24+$0xFFFFFC00] =	vst v50  }
0x67: {  	v56 =	vld [tilespmem:s31+$0x30];
	[tilespmem:s24+$0xFFFFFC10] =	vst v51  }
0x68: {  	v57 =	vld [tilespmem:s31+$0x3D0];
	[tilespmem:s24+$0xFFFFFC20] =	vst v52  }
0x69: {  	v58 =	vld [tilespmem:s31+$0x3E0];
	[tilespmem:s24+$0xFFFFFC30] =	vst v53  }
0x6a: {  	v59 =	vld [tilespmem:s31+$0x3F0];
	[tilespmem:s24+$0xFFFFFC40] =	vst v54  }
0x6b: {  	v60 =	vld [tilespmem:s31+$0x400];
	[tilespmem:s24+$0xFFFFFC50] =	vst v55  }
0x6c: {  	v61 =	vld [tilespmem:s31+$0xFFFFFFC0];
	[tilespmem:s24+$0xFFFFFC60] =	vst v56  }
0x6d: {  	s0 =	sand.u32 $0x80, s4;
	s9 =	sadd.s32 s9, s25;
	v62 =	vld [tilespmem:s31+$0x410];
	[tilespmem:s24+$0x0] =	vst v57  }
0x6e: {  	v63 =	vld [tilespmem:s31+$0x420];
	s29 =	sadd.s32 $0x1, s29;
	s0 =	sadd.s32 s0, s9;
	[tilespmem:s24+$0x10] =	vst v58  }
0x6f: {  	p1 =	sne.s32 s29, $0x8;
	v0 =	vld.idx.msk [tilespmem:v0+s0+$0x400 ss:$0x1], $0xffff;
	[tilespmem:s24+$0x20] =	vst v59  }
.Ltmp4:
0x70: {  	[tilespmem:s24+$0x30] =	vst v60;
	(pc) =	sbr.rel @p1 .LBB1_3-.Ltmp4, $4  }
0x71: {  	[tilespmem:s24+$0xFFFFFBF0] =	vst v61  }
0x72: {  	[tilespmem:s24+$0x40] =	vst v62  }
0x73: {  	s30 =	sadd.s32 $0x800, s30;
	s23 =	sadd.s32 $0x800, s23;
	[tilespmem:s24+$0x50] =	vst v63  }
0x74: {  	s28 =	sadd.s32 $0x80, s28;
	p0 =	por !p0, !p0;
	s2 =	sadd.s32 $0x80, s2;
	[tilespmem:s30+$0x0] =	vst v0  }
0x75: {  	s0 =	sshll.u32 s13, $0x8;
	s2 =	sshll.u32 s13, $0x7  }
0x76: {  	p0 =	sgt.s32 s14, $0x1;
	s9 =	sshra.s32 s14, $0x1F;
	s23 =	smov.u32 s13  }
0x77: {  	s24 =	sshra.s32 s13, $0x1F;
	p1 =	sgt.s32 s12, $0xD6;
	s26 =	smul.u32 $0xA6800, s14  }
0x78: {  	s31 =	sshra.s32 s12, $0x1F;
	s28 =	smul.u32 $0xC00, s12;
	s0 =	sand.u32 $0xFFFFF800, s0  }
0x79: {  	s2 =	sand.u32 $0x300, s2;
	s9 =	sand.u32 s9, s14;
	s24 =	sand.u32 s24, s13  }
0x7a: {  	s0 =	sor.u32 s2, s0;
	s2 =	smov.u32 s14;
	s9 =	sxor.u32 $0xFFFFFFFF, s9  }
0x7b: {  	s0 =	sshrl.u32 s0, $0x8;
	s2 =	simm.s32 @!p0 $0x1;
	p0 =	sgt.s32 s13, $0x58  }
0x7c: {  	s4 =	smulhi.u32 $0x2AAAAAB, s0;
	s23 =	simm.s32 @!p0 $0x58;
	s2 =	sadd.s32 s9, s2  }
0x7d: {  	s29 =	sshll.u32 s13, $0x4;
	s30 =	ssub.s32 s23, s24;
	p0 =	sgt.s32 s2, $0x0  }
0x7e: {  	s23 =	smov.u32 s12;
	s2 =	sshll.u32 s2, $0x8;
	s4 =	smul.u32 $0x60, s4  }
0x7f: {  	s24 =	sadd.s32 $0xFFFFFFA8, s30;
	s23 =	simm.s32 @!p1 $0xD6;
	s9 =	ssub.s32 $0x60, s30  }
0x80: {  	s2 =	ssub.s32 $0x100, s2;
	p1 =	sgt.s32 s24, $0x7;
	s24 =	sand.u32 s31, s12  }
0x81: {  	s2 =	simm.s32 @p0 $0x0;
	s9 =	simm.s32 @p1 $0x0;
	s23 =	ssub.s32 s23, s24  }
0x82: {  	s0 =	ssub.s32 s0, s4;
	s2 =	smul.u32 s9, s2;
	s25 =	sadd.s32 $0xFFFFFF2A, s23  }
0x83: {  	s4 =	ssub.s32 $0xDE, s23;
	p0 =	sgt.s32 s25, $0x7;
	s25 =	rddreg [dreg:$0x1]  }
.Ltmp5:
0x84: {  	s4 =	simm.s32 @p0 $0x0;
	s9 =	sadd.s32 s25, s26;
	(pc) =	sbr.rel .LBB1_7-.Ltmp5, $4  }
0x85: {  	s30 =	sand.u32 $0x10, s29;
	s2 =	smul.u32 s4, s2;
	s9 =	sadd.s32 s28, s9  }
0x86: {  	s0 =	sshll.u32 s0, $0x5;
	s4 =	sadd.s32 s30, s9  }
0x87: {  	s31 =	simm.s32 $0x800;
	s2 =	sand.u32 $0x3FFFFF00, s2;
	s0 =	sadd.s32 s0, s4  }
0x88: {  	[hbm4b:s0+s31] =	stream.strided.scatter [tilespmem:s22], [sflag:$0x2], s2, s10, s31, $0x38;
	[tilespmem:$0x10000] =	vst v63  }
.LBB1_8:
0x89: {  	_ =	sfence.sel $0x180000  }
0x8a: {  	s0 =	simm.s32 $0x1;
	[bflag:$0x0] =	sbarrier.arrive $0xFFFF  }
0x8b: {  	s30 =	simm.s32 $0x2;
	[sflag:s0] =	ssyncpa.u1 $0x1  }
0x8c: {  	[sflag:s30] =	ssyncpa.u1 $0x1  }
0x8d: {  	_ =	strace $0x90000047  }
0x8e: {  	s31 =	stileid.u32;
	[bflag:$0x2] =	sbarrier.arrive $0xFFFF  }
0x8f: {  	p0 =	sne.s32 s31, $0x0;
	s0 =	rddreg [dreg:$0x2]  }
0x90: {  	s0 =	sadd.s32 @!p0 $0x100000, s0  }
0x91: {  	[sflag:s0] =	ssyncadd.tile.s32 @!p0 $0x1;
	_ =	shalt  }
.Lfunc_end1:
_tile_overlayer_lowered:
.L_overlay_start_2:
0x92: {  	(tag) =	ssettag $0x2  }
0x93: {  	s0 =	rddreg [dreg:$0x0];
	s2 =	stileid.u32  }
0x94: {  	s1 =	rddreg [dreg:$0x1];
	p0 =	sne.s32 s2, $0x0  }
0x95: {  	s3 =	rddreg [dreg:$0x2];
	[bflag:$0x3] =	sbarrier.arrive $0xFFFF;
	s2 =	simm.s32 @!p0 $0x1C01  }
0x96: {  	[timem:s3], [sflag:s2] =	dma.local @!p0 [hbm:s0], s1  }
0x97: {  	s0 =	simm.s32 @!p0 $0x1  }
0x98: {  	_ =	swait.ge @!p0 [sflag:s0], s1  }
0x99: {  	s1 =	ssub.s32 @!p0 $0x0, s1;
	[sflag:s0] =	ssyncset.done @!p0 $0x0  }
0x9a: {  	[sflag:s0] =	ssyncadd.s32 @!p0 s1  }
0x9b: {  	[bflag:$0x3] =	sbarrier.arrive $0xFFFF  }
0x9c: {  	_ =	shalt  }

</sc_bundles>
